<compile_context>
chip_gen: v7x
topology: tpu7x:2x2x1
jax: 0.10.2.dev20260603
libtpu: 0.0.44.dev20260713+nightly
codegen_flags: <defaults>
</compile_context>

<pallas_src>
import functools

import jax
import jax.numpy as jnp
from jax import lax
from jax.experimental import pallas as pl
from jax.experimental.pallas import tpu as pltpu
from jax.experimental.pallas import tpu_sc as plsc

N = 100000
M = 4096
L = 16
CHUNK = 6256
BASE = 6248
NPAIR = 195
TBL = 2 * M

_mesh = plsc.VectorSubcoreMesh(
    core_axis_name="c", subcore_axis_name="s", num_cores=1
)


@functools.partial(
    pl.kernel,
    out_type=jax.ShapeDtypeStruct((N,), jnp.float32),
    mesh=_mesh,
    scratch_types=[
        pltpu.VMEM((8 + CHUNK,), jnp.int32),
        pltpu.VMEM((CHUNK,), jnp.float32),
        pltpu.VMEM((CHUNK,), jnp.float32),
        pltpu.VMEM((CHUNK,), jnp.float32),
        pltpu.VMEM((CHUNK,), jnp.float32),
        pltpu.VMEM((CHUNK,), jnp.float32),
        pltpu.VMEM((TBL // 128, 128), jnp.float32),
        pltpu.VMEM((TBL // 128,), jnp.int32),
        pltpu.VMEM((M,), jnp.float32),
        pltpu.VMEM_SHARED((TBL // 128, 128), jnp.float32),
        pltpu.SemaphoreType.DMA,
    ],
    compiler_params=pltpu.CompilerParams(needs_layout_passes=False,
                                         skip_device_barrier=True),
)
def _ce_kernel(ids_hbm, es_hbm, q_hbm, out_hbm,
               ids_v, e_v, s_v, q_v, sinv_v, out_v, tbl2_v, idx_v,
               r_v, sh_comb, dsem):
    w = lax.axis_index("s")
    start = BASE * w + 8 * jnp.maximum(w - 12, 0)
    cnt = jnp.where(w >= 12, CHUNK, BASE)

    c1 = pltpu.async_copy(ids_hbm.at[pl.ds(start, CHUNK)],
                          ids_v.at[pl.ds(8, CHUNK)], dsem)
    c2 = pltpu.async_copy(es_hbm.at[pl.ds(start, CHUNK)], e_v, dsem)
    c3 = pltpu.async_copy(es_hbm.at[pl.ds(N + start, CHUNK)], s_v, dsem)
    c4 = pltpu.async_copy(q_hbm.at[pl.ds(start, CHUNK)], q_v, dsem)

    lanes = lax.iota(jnp.int32, L)
    zero = jnp.zeros((L,), jnp.float32)

    @plsc.parallel_loop(0, TBL // 128, step=1, unroll=2)
    def _zero(row):
        for u in range(8):
            tbl2_v[row, pl.ds(u * L, L)] = zero

    @plsc.parallel_loop(0, TBL // 128, step=L)
    def _iv(o):
        idx_v[pl.ds(o, L)] = o + lanes

    @pl.when(w == 0)
    def _():
        pltpu.sync_copy(tbl2_v, sh_comb)

    plsc.subcore_barrier()

    c1.wait()
    c2.wait()
    c3.wait()
    c4.wait()

    def scat(idx, a, sinv, m):
        row = jax.lax.shift_right_logical(idx, 7)
        col = jax.lax.bitwise_and(idx, 127)
        plsc.addupdate_scatter(tbl2_v, [row, col], a, mask=m)
        plsc.addupdate_scatter(tbl2_v, [row + (M // 128), col], sinv, mask=m)

    m0 = lanes == 0
    m15 = lanes == 15

    def p1_tail(base, m):
        idx = ids_v[pl.ds(8 + base, L)]
        e = e_v[pl.ds(base, L)]
        s = s_v[pl.ds(base, L)]
        qv = q_v[pl.ds(base, L)]
        sinv = 1.0 / s
        a = qv + e * sinv
        sinv_v[pl.ds(base, L)] = sinv
        scat(idx, a, sinv, m)

    def p1_one(base):
        idx = ids_v[pl.ds(8 + base, L)]
        idxp = ids_v[pl.ds(7 + base, L)]
        idxn = ids_v[pl.ds(9 + base, L)]
        e = e_v[pl.ds(base, L)]
        s = s_v[pl.ds(base, L)]
        qv = q_v[pl.ds(base, L)]
        sinv = 1.0 / s
        a = qv + e * sinv
        sinv_v[pl.ds(base, L)] = sinv
        first = (idx != idxp) | m0
        last = (idx != idxn) | m15
        ca = plsc.cumsum(a)
        cs = plsc.cumsum(sinv)
        s_idx = plsc.cummax(jnp.where(first, lanes, 0))
        run_a = ca - jnp.take_along_axis(ca - a, s_idx, axis=0)
        run_s = cs - jnp.take_along_axis(cs - sinv, s_idx, axis=0)
        scat(idx, run_a, run_s, last)

    @plsc.parallel_loop(0, NPAIR * 2 * L, step=L, unroll=6)
    def _p1(base):
        p1_one(base)

    p1_tail(NPAIR * 2 * L, lanes < (cnt - NPAIR * 2 * L))

    pltpu.sync_copy(tbl2_v, sh_comb.at[idx_v], add=True)
    plsc.subcore_barrier()
    pltpu.sync_copy(sh_comb, tbl2_v)

    @plsc.parallel_loop(0, M // 128, step=1, unroll=2)
    def _rt(row):
        for u in range(8):
            ta = tbl2_v[row, pl.ds(u * L, L)]
            tb = tbl2_v[row + (M // 128), pl.ds(u * L, L)]
            r_v[pl.ds(row * 128 + u * L, L)] = ta / tb

    def p2_one(base):
        idx = ids_v[pl.ds(8 + base, L)]
        e = e_v[pl.ds(base, L)]
        sinv = sinv_v[pl.ds(base, L)]
        r = plsc.load_gather(r_v, [idx])
        out_v[pl.ds(base, L)] = sinv * (r - e)

    @plsc.parallel_loop(0, NPAIR * 2 * L, step=L, unroll=6)
    def _p2(base):
        p2_one(base)

    p2_one(NPAIR * 2 * L)

    pltpu.sync_copy(out_v, out_hbm.at[pl.ds(start, CHUNK)])


def kernel(h, q, mol_ids):
    ids32 = mol_ids.astype(jnp.int32)
    es = h.T.reshape(-1)
    return _ce_kernel(ids32, es, q)

# --- scband reference (transcript-rebuilt; emitter-appended) ---
"""Pipeline reference for scband-charge-equilibrium-18253611008444 (READ-ONLY COPY).

The authoritative reference and input builder live on the scoring server;
editing this copy changes nothing except your own understanding.
"""

import jax, jax.numpy as jnp
import numpy as np

N_ATOMS = 100000
N_MOLS = 4096

def setup_inputs(seed: int = 0) -> dict:
    key = jax.random.key(seed)
    k1, k2, k3 = jax.random.split(key, 3)
    # h[:,0]=electronegativity e, h[:,1]=hardness s. Offset by 0.5 so s stays
    # strictly positive and 1/s well conditioned (physically s > 0).
    h = jax.random.uniform(k1, (N_ATOMS, 2), dtype=jnp.float32) + 0.5
    q = jax.random.normal(k2, (N_ATOMS,), dtype=jnp.float32)
    mol_ids = jnp.sort(jax.random.randint(k3, (N_ATOMS,), 0, N_MOLS, dtype=jnp.int32)).astype(jnp.int64)
    return {"h": h, "q": q, "mol_ids": mol_ids}

def reference(h, q, mol_ids):
    # Flattened equivalent of the DGL heterograph charge-equilibrium:
    # atom->mol segment sums (atom_in_mol edges) followed by mol->atom
    # broadcast (mol_has_atom edges), then the analytic Lagrange solution.
    e = h[:, 0]
    s = h[:, 1]
    s_inv = s ** (-1)
    e_s_inv = e * s_inv
    # update_all copy_src + sum over atom_in_mol == segment_sum per molecule
    sum_q = jax.ops.segment_sum(q, mol_ids, num_segments=N_MOLS)
    sum_s_inv = jax.ops.segment_sum(s_inv, mol_ids, num_segments=N_MOLS)
    sum_e_s_inv = jax.ops.segment_sum(e_s_inv, mol_ids, num_segments=N_MOLS)
    # update_all over mol_has_atom == gather (broadcast) back to atoms
    sum_q_a = jnp.take(sum_q, mol_ids, axis=0)
    sum_s_inv_a = jnp.take(sum_s_inv, mol_ids, axis=0)
    sum_e_s_inv_a = jnp.take(sum_e_s_inv, mol_ids, axis=0)
    # get_charges: q_i* = -e_i/s_i + (1/s_i) * (Q + sum e/s) / (sum 1/s)
    q_hat = -e * s_inv + s_inv * ((sum_q_a + sum_e_s_inv_a) / sum_s_inv_a)
    return q_hat

if __name__ == "__main__":
    import jax
    _d = setup_inputs()
    print(jax.jit(kernel)(*tuple(_d.values())))

</pallas_src>

<mosaic_0001>
#map = affine_map<(d0, d1) -> (0)>
module attributes {stable_mosaic.version = 14 : i64} {
  func.func @_ce_kernel(%arg0: i32, %arg1: i32, %arg2: memref<100000xi32, #tpu.memory_space<hbm>>, %arg3: memref<200000xf32, #tpu.memory_space<hbm>>, %arg4: memref<100000xf32, #tpu.memory_space<hbm>>, %arg5: memref<100000xf32, #tpu.memory_space<hbm>>, %arg6: memref<6264xi32, #tpu.memory_space<vmem>>, %arg7: memref<6256xf32, #tpu.memory_space<vmem>>, %arg8: memref<6256xf32, #tpu.memory_space<vmem>>, %arg9: memref<6256xf32, #tpu.memory_space<vmem>>, %arg10: memref<6256xf32, #tpu.memory_space<vmem>>, %arg11: memref<6256xf32, #tpu.memory_space<vmem>>, %arg12: memref<64x128xf32, #tpu.memory_space<vmem>>, %arg13: memref<64xi32, #tpu.memory_space<vmem>>, %arg14: memref<4096xf32, #tpu.memory_space<vmem>>, %arg15: memref<64x128xf32, #tpu.memory_space<vmem_shared>>, %arg16: memref<!tpu.dma_semaphore, #tpu.memory_space<semaphore_mem>>) attributes {dimension_semantics = [#tpu.dimension_semantics<core_parallel>, #tpu.dimension_semantics<subcore_parallel>], iteration_bounds = array<i64: 1, 16>, scalar_prefetch = 0 : i64, scratch_operands = 11 : i64, tpu.core_type = #tpu.core_type<sc_vector_subcore>, window_params = [{transform_indices = #map}, {transform_indices = #map}, {transform_indices = #map}, {transform_indices = #map}]} {
    %mul3A = arith.constant 6248 : i32
    %mul3A_0 = arith.muli %mul3A, %arg1 : i32
    %sub3A = arith.constant 12 : i32
    %sub3A_1 = arith.subi %arg1, %sub3A : i32
    %max3A = arith.constant 0 : i32
    %max3A_2 = arith.maxsi %sub3A_1, %max3A : i32
    %mul3A_3 = arith.constant 8 : i32
    %mul3A_4 = arith.muli %mul3A_3, %max3A_2 : i32
    %add3A = arith.addi %mul3A_0, %mul3A_4 : i32
    %ge3A = arith.constant 12 : i32
    %ge3A_5 = arith.cmpi sge, %arg1, %ge3A : i32
    %jit3A = arith.constant 6256 : i32
    %jit3A_6 = arith.constant 6248 : i32
    %select_n3A = arith.select %ge3A_5, %jit3A, %jit3A_6 : i32
    %dma_start3A = arith.constant 8 : i32
    %dma_start3A_7 = tpu.memref_slice %arg6[%dma_start3A] : memref<6264xi32, #tpu.memory_space<vmem>> -> memref<6256xi32, #tpu.memory_space<vmem>>
    %dma_start3A_8 = tpu.memref_slice %arg2[%add3A] : memref<100000xi32, #tpu.memory_space<hbm>> -> memref<6256xi32, #tpu.memory_space<hbm>>
    %dma_start3A_9 = arith.constant 8 : i32
    %dma_start3A_10 = tpu.memref_slice %arg6[%dma_start3A_9] : memref<6264xi32, #tpu.memory_space<vmem>> -> memref<6256xi32, #tpu.memory_space<vmem>>
    %dma_start3A_11 = tpu.memref_slice %arg2[%add3A] : memref<100000xi32, #tpu.memory_space<hbm>> -> memref<6256xi32, #tpu.memory_space<hbm>>
    tpu.enqueue_dma source(%dma_start3A_11 : memref<6256xi32, #tpu.memory_space<hbm>>) target(%dma_start3A_10 : memref<6256xi32, #tpu.memory_space<vmem>>) target_semaphore(%arg16 : memref<!tpu.dma_semaphore, #tpu.memory_space<semaphore_mem>>)
    %dma_start3A_12 = tpu.memref_slice %arg3[%add3A] : memref<200000xf32, #tpu.memory_space<hbm>> -> memref<6256xf32, #tpu.memory_space<hbm>>
    %dma_start3A_13 = tpu.memref_slice %arg3[%add3A] : memref<200000xf32, #tpu.memory_space<hbm>> -> memref<6256xf32, #tpu.memory_space<hbm>>
    tpu.enqueue_dma source(%dma_start3A_13 : memref<6256xf32, #tpu.memory_space<hbm>>) target(%arg7 : memref<6256xf32, #tpu.memory_space<vmem>>) target_semaphore(%arg16 : memref<!tpu.dma_semaphore, #tpu.memory_space<semaphore_mem>>)
    %add3A_14 = arith.constant 100000 : i32
    %add3A_15 = arith.addi %add3A_14, %add3A : i32
    %dma_start3A_16 = tpu.memref_slice %arg3[%add3A_15] : memref<200000xf32, #tpu.memory_space<hbm>> -> memref<6256xf32, #tpu.memory_space<hbm>>
    %dma_start3A_17 = tpu.memref_slice %arg3[%add3A_15] : memref<200000xf32, #tpu.memory_space<hbm>> -> memref<6256xf32, #tpu.memory_space<hbm>>
    tpu.enqueue_dma source(%dma_start3A_17 : memref<6256xf32, #tpu.memory_space<hbm>>) target(%arg8 : memref<6256xf32, #tpu.memory_space<vmem>>) target_semaphore(%arg16 : memref<!tpu.dma_semaphore, #tpu.memory_space<semaphore_mem>>)
    %dma_start3A_18 = tpu.memref_slice %arg4[%add3A] : memref<100000xf32, #tpu.memory_space<hbm>> -> memref<6256xf32, #tpu.memory_space<hbm>>
    %dma_start3A_19 = tpu.memref_slice %arg4[%add3A] : memref<100000xf32, #tpu.memory_space<hbm>> -> memref<6256xf32, #tpu.memory_space<hbm>>
    tpu.enqueue_dma source(%dma_start3A_19 : memref<6256xf32, #tpu.memory_space<hbm>>) target(%arg9 : memref<6256xf32, #tpu.memory_space<vmem>>) target_semaphore(%arg16 : memref<!tpu.dma_semaphore, #tpu.memory_space<semaphore_mem>>)
    %iota3A = tpu.iota {dimensions = array<i32: 0>} : vector<16xi32>
    %broadcast_in_dim3A = arith.constant 0.000000e+00 : f32
    %broadcast_in_dim3A_20 = vector.broadcast %broadcast_in_dim3A : f32 to vector<16xf32>
    %parallel_loop3A = arith.constant 0 : i32
    %parallel_loop3A_21 = arith.constant 64 : i32
    %parallel_loop3A_22 = arith.constant 1 : i32
    scf.for %parallel_loop3A_87 = %parallel_loop3A to %parallel_loop3A_21 step %parallel_loop3A_22  : i32 {
      %parallel_loop3A_88 = arith.index_cast %parallel_loop3A_87 : i32 to index
      %parallel_loop3A_89 = arith.constant 0 : index
      %parallel_loop3A_90 = tpu.vector_load %arg12[%parallel_loop3A_88, %parallel_loop3A_89] {strides = array<i32>} : memref<64x128xf32, #tpu.memory_space<vmem>>, vector<16xf32>,
      tpu.vector_store %arg12[%parallel_loop3A_88, %parallel_loop3A_89], %broadcast_in_dim3A_20 {strides = array<i32>} : memref<64x128xf32, #tpu.memory_space<vmem>>, vector<16xf32>,
      %parallel_loop3A_91 = arith.index_cast %parallel_loop3A_87 : i32 to index
      %parallel_loop3A_92 = arith.constant 16 : index
      %parallel_loop3A_93 = tpu.vector_load %arg12[%parallel_loop3A_91, %parallel_loop3A_92] {strides = array<i32>} : memref<64x128xf32, #tpu.memory_space<vmem>>, vector<16xf32>,
      tpu.vector_store %arg12[%parallel_loop3A_91, %parallel_loop3A_92], %broadcast_in_dim3A_20 {strides = array<i32>} : memref<64x128xf32, #tpu.memory_space<vmem>>, vector<16xf32>,
      %parallel_loop3A_94 = arith.index_cast %parallel_loop3A_87 : i32 to index
      %parallel_loop3A_95 = arith.constant 32 : index
      %parallel_loop3A_96 = tpu.vector_load %arg12[%parallel_loop3A_94, %parallel_loop3A_95] {strides = array<i32>} : memref<64x128xf32, #tpu.memory_space<vmem>>, vector<16xf32>,
      tpu.vector_store %arg12[%parallel_loop3A_94, %parallel_loop3A_95], %broadcast_in_dim3A_20 {strides = array<i32>} : memref<64x128xf32, #tpu.memory_space<vmem>>, vector<16xf32>,
      %parallel_loop3A_97 = arith.index_cast %parallel_loop3A_87 : i32 to index
      %parallel_loop3A_98 = arith.constant 48 : index
      %parallel_loop3A_99 = tpu.vector_load %arg12[%parallel_loop3A_97, %parallel_loop3A_98] {strides = array<i32>} : memref<64x128xf32, #tpu.memory_space<vmem>>, vector<16xf32>,
      tpu.vector_store %arg12[%parallel_loop3A_97, %parallel_loop3A_98], %broadcast_in_dim3A_20 {strides = array<i32>} : memref<64x128xf32, #tpu.memory_space<vmem>>, vector<16xf32>,
      %parallel_loop3A_100 = arith.index_cast %parallel_loop3A_87 : i32 to index
      %parallel_loop3A_101 = arith.constant 64 : index
      %parallel_loop3A_102 = tpu.vector_load %arg12[%parallel_loop3A_100, %parallel_loop3A_101] {strides = array<i32>} : memref<64x128xf32, #tpu.memory_space<vmem>>, vector<16xf32>,
      tpu.vector_store %arg12[%parallel_loop3A_100, %parallel_loop3A_101], %broadcast_in_dim3A_20 {strides = array<i32>} : memref<64x128xf32, #tpu.memory_space<vmem>>, vector<16xf32>,
      %parallel_loop3A_103 = arith.index_cast %parallel_loop3A_87 : i32 to index
      %parallel_loop3A_104 = arith.constant 80 : index
      %parallel_loop3A_105 = tpu.vector_load %arg12[%parallel_loop3A_103, %parallel_loop3A_104] {strides = array<i32>} : memref<64x128xf32, #tpu.memory_space<vmem>>, vector<16xf32>,
      tpu.vector_store %arg12[%parallel_loop3A_103, %parallel_loop3A_104], %broadcast_in_dim3A_20 {strides = array<i32>} : memref<64x128xf32, #tpu.memory_space<vmem>>, vector<16xf32>,
      %parallel_loop3A_106 = arith.index_cast %parallel_loop3A_87 : i32 to index
      %parallel_loop3A_107 = arith.constant 96 : index
      %parallel_loop3A_108 = tpu.vector_load %arg12[%parallel_loop3A_106, %parallel_loop3A_107] {strides = array<i32>} : memref<64x128xf32, #tpu.memory_space<vmem>>, vector<16xf32>,
      tpu.vector_store %arg12[%parallel_loop3A_106, %parallel_loop3A_107], %broadcast_in_dim3A_20 {strides = array<i32>} : memref<64x128xf32, #tpu.memory_space<vmem>>, vector<16xf32>,
      %parallel_loop3A_109 = arith.index_cast %parallel_loop3A_87 : i32 to index
      %parallel_loop3A_110 = arith.constant 112 : index
      %parallel_loop3A_111 = tpu.vector_load %arg12[%parallel_loop3A_109, %parallel_loop3A_110] {strides = array<i32>} : memref<64x128xf32, #tpu.memory_space<vmem>>, vector<16xf32>,
      tpu.vector_store %arg12[%parallel_loop3A_109, %parallel_loop3A_110], %broadcast_in_dim3A_20 {strides = array<i32>} : memref<64x128xf32, #tpu.memory_space<vmem>>, vector<16xf32>,
    } {sc.loop_unroll_factor = 2 : i64, sc.parallel_access}
    %parallel_loop3A_23 = arith.constant 0 : i32
    %parallel_loop3A_24 = arith.constant 64 : i32
    %parallel_loop3A_25 = arith.constant 16 : i32
    scf.for %parallel_loop3A_87 = %parallel_loop3A_23 to %parallel_loop3A_24 step %parallel_loop3A_25  : i32 {
      %parallel_loop3A_88 = vector.broadcast %parallel_loop3A_87 : i32 to vector<16xi32>
      %parallel_loop3A_89 = arith.addi %parallel_loop3A_88, %iota3A : vector<16xi32>
      %parallel_loop3A_90 = arith.index_cast %parallel_loop3A_87 : i32 to index
      %parallel_loop3A_91 = tpu.vector_load %arg13[%parallel_loop3A_90] {strides = array<i32>} : memref<64xi32, #tpu.memory_space<vmem>>, vector<16xi32>,
      tpu.vector_store %arg13[%parallel_loop3A_90], %parallel_loop3A_89 {strides = array<i32>} : memref<64xi32, #tpu.memory_space<vmem>>, vector<16xi32>,
    } {sc.loop_unroll_factor = 1 : i64, sc.parallel_access}
    %eq3A = arith.constant 0 : i32
    %eq3A_26 = arith.cmpi eq, %arg1, %eq3A : i32
    %convert_element_type3A = arith.extui %eq3A_26 : i1 to i32
    %cond3A = arith.constant 0 : i32
    %cond3A_27 = arith.cmpi ne, %convert_element_type3A, %cond3A : i32
    scf.if %cond3A_27 {
      "tpu.region"() ({
        %run_scoped3A = tpu.sem_alloc : memref<!tpu.dma_semaphore, #tpu.memory_space<semaphore_mem>>
        tpu.enqueue_dma source(%arg12 : memref<64x128xf32, #tpu.memory_space<vmem>>) target(%arg15 : memref<64x128xf32, #tpu.memory_space<vmem_shared>>) target_semaphore(%run_scoped3A : memref<!tpu.dma_semaphore, #tpu.memory_space<semaphore_mem>>)
        tpu.wait_dma2 semaphore(%run_scoped3A : memref<!tpu.dma_semaphore, #tpu.memory_space<semaphore_mem>>) src(%arg12 : memref<64x128xf32, #tpu.memory_space<vmem>>) dst(%arg15 : memref<64x128xf32, #tpu.memory_space<vmem_shared>>)
        tpu.yield
      }) : () -> ()
    } else {
    }
    %barrier3A = arith.constant 0 : index
    tpu.barrier barrier_id(%barrier3A)
    %dma_wait3A = arith.constant 8 : i32
    %dma_wait3A_28 = tpu.memref_slice %arg6[%dma_wait3A] : memref<6264xi32, #tpu.memory_space<vmem>> -> memref<6256xi32, #tpu.memory_space<vmem>>
    %dma_wait3A_29 = tpu.memref_slice %arg2[%add3A] : memref<100000xi32, #tpu.memory_space<hbm>> -> memref<6256xi32, #tpu.memory_space<hbm>>
    %dma_wait3A_30 = arith.constant 8 : i32
    %dma_wait3A_31 = tpu.memref_slice %arg6[%dma_wait3A_30] : memref<6264xi32, #tpu.memory_space<vmem>> -> memref<6256xi32, #tpu.memory_space<vmem>>
    %dma_wait3A_32 = tpu.memref_slice %arg2[%add3A] : memref<100000xi32, #tpu.memory_space<hbm>> -> memref<6256xi32, #tpu.memory_space<hbm>>
    tpu.wait_dma2 semaphore(%arg16 : memref<!tpu.dma_semaphore, #tpu.memory_space<semaphore_mem>>) src(%dma_wait3A_32 : memref<6256xi32, #tpu.memory_space<hbm>>) dst(%dma_wait3A_31 : memref<6256xi32, #tpu.memory_space<vmem>>)
    %dma_wait3A_33 = tpu.memref_slice %arg3[%add3A] : memref<200000xf32, #tpu.memory_space<hbm>> -> memref<6256xf32, #tpu.memory_space<hbm>>
    %dma_wait3A_34 = tpu.memref_slice %arg3[%add3A] : memref<200000xf32, #tpu.memory_space<hbm>> -> memref<6256xf32, #tpu.memory_space<hbm>>
    tpu.wait_dma2 semaphore(%arg16 : memref<!tpu.dma_semaphore, #tpu.memory_space<semaphore_mem>>) src(%dma_wait3A_34 : memref<6256xf32, #tpu.memory_space<hbm>>) dst(%arg7 : memref<6256xf32, #tpu.memory_space<vmem>>)
    %dma_wait3A_35 = tpu.memref_slice %arg3[%add3A_15] : memref<200000xf32, #tpu.memory_space<hbm>> -> memref<6256xf32, #tpu.memory_space<hbm>>
    %dma_wait3A_36 = tpu.memref_slice %arg3[%add3A_15] : memref<200000xf32, #tpu.memory_space<hbm>> -> memref<6256xf32, #tpu.memory_space<hbm>>
    tpu.wait_dma2 semaphore(%arg16 : memref<!tpu.dma_semaphore, #tpu.memory_space<semaphore_mem>>) src(%dma_wait3A_36 : memref<6256xf32, #tpu.memory_space<hbm>>) dst(%arg8 : memref<6256xf32, #tpu.memory_space<vmem>>)
    %dma_wait3A_37 = tpu.memref_slice %arg4[%add3A] : memref<100000xf32, #tpu.memory_space<hbm>> -> memref<6256xf32, #tpu.memory_space<hbm>>
    %dma_wait3A_38 = tpu.memref_slice %arg4[%add3A] : memref<100000xf32, #tpu.memory_space<hbm>> -> memref<6256xf32, #tpu.memory_space<hbm>>
    tpu.wait_dma2 semaphore(%arg16 : memref<!tpu.dma_semaphore, #tpu.memory_space<semaphore_mem>>) src(%dma_wait3A_38 : memref<6256xf32, #tpu.memory_space<hbm>>) dst(%arg9 : memref<6256xf32, #tpu.memory_space<vmem>>)
    %eq3A_39 = arith.constant 0 : i32
    %eq3A_40 = vector.broadcast %eq3A_39 : i32 to vector<16xi32>
    %eq3A_41 = arith.cmpi eq, %iota3A, %eq3A_40 : vector<16xi32>
    %eq3A_42 = arith.constant 15 : i32
    %eq3A_43 = vector.broadcast %eq3A_42 : i32 to vector<16xi32>
    %eq3A_44 = arith.cmpi eq, %iota3A, %eq3A_43 : vector<16xi32>
    %parallel_loop3A_45 = arith.constant 0 : i32
    %parallel_loop3A_46 = arith.constant 6240 : i32
    %parallel_loop3A_47 = arith.constant 16 : i32
    scf.for %parallel_loop3A_87 = %parallel_loop3A_45 to %parallel_loop3A_46 step %parallel_loop3A_47  : i32 {
      %parallel_loop3A_88 = arith.constant 8 : i32
      %parallel_loop3A_89 = arith.addi %parallel_loop3A_88, %parallel_loop3A_87 : i32
      %parallel_loop3A_90 = arith.index_cast %parallel_loop3A_89 : i32 to index
      %parallel_loop3A_91 = tpu.vector_load %arg6[%parallel_loop3A_90] {strides = array<i32>} : memref<6264xi32, #tpu.memory_space<vmem>>, vector<16xi32>,
      %parallel_loop3A_92 = arith.constant 7 : i32
      %parallel_loop3A_93 = arith.addi %parallel_loop3A_92, %parallel_loop3A_87 : i32
      %parallel_loop3A_94 = arith.index_cast %parallel_loop3A_93 : i32 to index
      %parallel_loop3A_95 = tpu.vector_load %arg6[%parallel_loop3A_94] {strides = array<i32>} : memref<6264xi32, #tpu.memory_space<vmem>>, vector<16xi32>,
      %parallel_loop3A_96 = arith.constant 9 : i32
      %parallel_loop3A_97 = arith.addi %parallel_loop3A_96, %parallel_loop3A_87 : i32
      %parallel_loop3A_98 = arith.index_cast %parallel_loop3A_97 : i32 to index
      %parallel_loop3A_99 = tpu.vector_load %arg6[%parallel_loop3A_98] {strides = array<i32>} : memref<6264xi32, #tpu.memory_space<vmem>>, vector<16xi32>,
      %parallel_loop3A_100 = arith.index_cast %parallel_loop3A_87 : i32 to index
      %parallel_loop3A_101 = tpu.vector_load %arg7[%parallel_loop3A_100] {strides = array<i32>} : memref<6256xf32, #tpu.memory_space<vmem>>, vector<16xf32>,
      %parallel_loop3A_102 = arith.index_cast %parallel_loop3A_87 : i32 to index
      %parallel_loop3A_103 = tpu.vector_load %arg8[%parallel_loop3A_102] {strides = array<i32>} : memref<6256xf32, #tpu.memory_space<vmem>>, vector<16xf32>,
      %parallel_loop3A_104 = arith.index_cast %parallel_loop3A_87 : i32 to index
      %parallel_loop3A_105 = tpu.vector_load %arg9[%parallel_loop3A_104] {strides = array<i32>} : memref<6256xf32, #tpu.memory_space<vmem>>, vector<16xf32>,
      %parallel_loop3A_106 = arith.constant 1.000000e+00 : f32
      %parallel_loop3A_107 = vector.broadcast %parallel_loop3A_106 : f32 to vector<16xf32>
      %parallel_loop3A_108 = arith.divf %parallel_loop3A_107, %parallel_loop3A_103 : vector<16xf32>
      %parallel_loop3A_109 = arith.mulf %parallel_loop3A_101, %parallel_loop3A_108 : vector<16xf32>
      %parallel_loop3A_110 = arith.addf %parallel_loop3A_105, %parallel_loop3A_109 : vector<16xf32>
      %parallel_loop3A_111 = arith.index_cast %parallel_loop3A_87 : i32 to index
      %parallel_loop3A_112 = tpu.vector_load %arg10[%parallel_loop3A_111] {strides = array<i32>} : memref<6256xf32, #tpu.memory_space<vmem>>, vector<16xf32>,
      tpu.vector_store %arg10[%parallel_loop3A_111], %parallel_loop3A_108 {strides = array<i32>} : memref<6256xf32, #tpu.memory_space<vmem>>, vector<16xf32>,
      %parallel_loop3A_113 = arith.cmpi ne, %parallel_loop3A_91, %parallel_loop3A_95 : vector<16xi32>
      %parallel_loop3A_114 = arith.ori %parallel_loop3A_113, %eq3A_41 : vector<16xi1>
      %parallel_loop3A_115 = arith.cmpi ne, %parallel_loop3A_91, %parallel_loop3A_99 : vector<16xi32>
      %parallel_loop3A_116 = arith.ori %parallel_loop3A_115, %eq3A_44 : vector<16xi1>
      %parallel_loop3A_117 = arith.constant true
      %parallel_loop3A_118 = vector.broadcast %parallel_loop3A_117 : i1 to vector<16xi1>
      %parallel_loop3A_119 = tpu.scan <sum>, %parallel_loop3A_110 masked %parallel_loop3A_118 : vector<16xf32>, vector<16xi1> -> vector<16xf32>
      %parallel_loop3A_120 = arith.constant true
      %parallel_loop3A_121 = vector.broadcast %parallel_loop3A_120 : i1 to vector<16xi1>
      %parallel_loop3A_122 = tpu.scan <sum>, %parallel_loop3A_108 masked %parallel_loop3A_121 : vector<16xf32>, vector<16xi1> -> vector<16xf32>
      %parallel_loop3A_123 = arith.constant 0 : i32
      %parallel_loop3A_124 = vector.broadcast %parallel_loop3A_123 : i32 to vector<16xi32>
      %parallel_loop3A_125 = arith.select %parallel_loop3A_114, %iota3A, %parallel_loop3A_124 : vector<16xi1>, vector<16xi32>
      %parallel_loop3A_126 = arith.constant true
      %parallel_loop3A_127 = vector.broadcast %parallel_loop3A_126 : i1 to vector<16xi1>
      %parallel_loop3A_128 = arith.constant -2147483648 : i32
      %parallel_loop3A_129 = vector.broadcast %parallel_loop3A_128 : i32 to vector<16xi32>
      %parallel_loop3A_130 = arith.xori %parallel_loop3A_125, %parallel_loop3A_129 : vector<16xi32>
      %parallel_loop3A_131 = tpu.scan <max>, %parallel_loop3A_130 masked %parallel_loop3A_127 : vector<16xi32>, vector<16xi1> -> vector<16xi32>
      %parallel_loop3A_132 = arith.xori %parallel_loop3A_131, %parallel_loop3A_129 : vector<16xi32>
      %parallel_loop3A_133 = arith.subf %parallel_loop3A_119, %parallel_loop3A_110 : vector<16xf32>
      %parallel_loop3A_134 = arith.constant 0 : i32
      %parallel_loop3A_135 = vector.broadcast %parallel_loop3A_134 : i32 to vector<16xi32>
      %parallel_loop3A_136 = arith.cmpi slt, %parallel_loop3A_132, %parallel_loop3A_135 : vector<16xi32>
      %parallel_loop3A_137 = arith.constant 16 : i32
      %parallel_loop3A_138 = vector.broadcast %parallel_loop3A_137 : i32 to vector<16xi32>
      %parallel_loop3A_139 = arith.addi %parallel_loop3A_132, %parallel_loop3A_138 : vector<16xi32>
      %parallel_loop3A_140 = arith.select %parallel_loop3A_136, %parallel_loop3A_139, %parallel_loop3A_132 : vector<16xi1>, vector<16xi32>
      %parallel_loop3A_141 = vector.shape_cast %parallel_loop3A_140 : vector<16xi32> to vector<16x1xi32>
      %parallel_loop3A_142 = vector.shape_cast %parallel_loop3A_141 : vector<16x1xi32> to vector<16xi32>
      %parallel_loop3A_143 = tpu.dynamic_gather %parallel_loop3A_133[%parallel_loop3A_142] in [0] : vector<16xf32>, vector<16xi32> -> vector<16xf32>
      %parallel_loop3A_144 = arith.subf %parallel_loop3A_119, %parallel_loop3A_143 : vector<16xf32>
      %parallel_loop3A_145 = arith.subf %parallel_loop3A_122, %parallel_loop3A_108 : vector<16xf32>
      %parallel_loop3A_146 = arith.constant 0 : i32
      %parallel_loop3A_147 = vector.broadcast %parallel_loop3A_146 : i32 to vector<16xi32>
      %parallel_loop3A_148 = arith.cmpi slt, %parallel_loop3A_132, %parallel_loop3A_147 : vector<16xi32>
      %parallel_loop3A_149 = arith.constant 16 : i32
      %parallel_loop3A_150 = vector.broadcast %parallel_loop3A_149 : i32 to vector<16xi32>
      %parallel_loop3A_151 = arith.addi %parallel_loop3A_132, %parallel_loop3A_150 : vector<16xi32>
      %parallel_loop3A_152 = arith.select %parallel_loop3A_148, %parallel_loop3A_151, %parallel_loop3A_132 : vector<16xi1>, vector<16xi32>
      %parallel_loop3A_153 = vector.shape_cast %parallel_loop3A_152 : vector<16xi32> to vector<16x1xi32>
      %parallel_loop3A_154 = vector.shape_cast %parallel_loop3A_153 : vector<16x1xi32> to vector<16xi32>
      %parallel_loop3A_155 = tpu.dynamic_gather %parallel_loop3A_145[%parallel_loop3A_154] in [0] : vector<16xf32>, vector<16xi32> -> vector<16xf32>
      %parallel_loop3A_156 = arith.subf %parallel_loop3A_122, %parallel_loop3A_155 : vector<16xf32>
      %parallel_loop3A_157 = arith.constant 7 : i32
      %parallel_loop3A_158 = vector.broadcast %parallel_loop3A_157 : i32 to vector<16xi32>
      %parallel_loop3A_159 = arith.shrui %parallel_loop3A_91, %parallel_loop3A_158 : vector<16xi32>
      %parallel_loop3A_160 = arith.constant 127 : i32
      %parallel_loop3A_161 = vector.broadcast %parallel_loop3A_160 : i32 to vector<16xi32>
      %parallel_loop3A_162 = arith.andi %parallel_loop3A_91, %parallel_loop3A_161 : vector<16xi32>
      tpu.vector_store_idx %arg12[%parallel_loop3A_159, %parallel_loop3A_162], %parallel_loop3A_144 masked %parallel_loop3A_116 {add = true} : memref<64x128xf32, #tpu.memory_space<vmem>>[vector<16xi32>, vector<16xi32>], vector<16xf32>, vector<16xi1>
      %parallel_loop3A_163 = arith.constant 32 : i32
      %parallel_loop3A_164 = vector.broadcast %parallel_loop3A_163 : i32 to vector<16xi32>
      %parallel_loop3A_165 = arith.addi %parallel_loop3A_159, %parallel_loop3A_164 : vector<16xi32>
      tpu.vector_store_idx %arg12[%parallel_loop3A_165, %parallel_loop3A_162], %parallel_loop3A_156 masked %parallel_loop3A_116 {add = true} : memref<64x128xf32, #tpu.memory_space<vmem>>[vector<16xi32>, vector<16xi32>], vector<16xf32>, vector<16xi1>
    } {sc.loop_unroll_factor = 6 : i64, sc.parallel_access}
    %sub3A_48 = arith.constant 6240 : i32
    %sub3A_49 = arith.subi %select_n3A, %sub3A_48 : i32
    %lt3A = vector.broadcast %sub3A_49 : i32 to vector<16xi32>
    %lt3A_50 = arith.cmpi slt, %iota3A, %lt3A : vector<16xi32>
    %get3A = arith.constant 6248 : index
    %get3A_51 = tpu.vector_load %arg6[%get3A] {strides = array<i32>} : memref<6264xi32, #tpu.memory_space<vmem>>, vector<16xi32>,
    %get3A_52 = arith.constant 6240 : index
    %get3A_53 = tpu.vector_load %arg7[%get3A_52] {strides = array<i32>} : memref<6256xf32, #tpu.memory_space<vmem>>, vector<16xf32>,
    %get3A_54 = arith.constant 6240 : index
    %get3A_55 = tpu.vector_load %arg8[%get3A_54] {strides = array<i32>} : memref<6256xf32, #tpu.memory_space<vmem>>, vector<16xf32>,
    %get3A_56 = arith.constant 6240 : index
    %get3A_57 = tpu.vector_load %arg9[%get3A_56] {strides = array<i32>} : memref<6256xf32, #tpu.memory_space<vmem>>, vector<16xf32>,
    %div3A = arith.constant 1.000000e+00 : f32
    %div3A_58 = vector.broadcast %div3A : f32 to vector<16xf32>
    %div3A_59 = arith.divf %div3A_58, %get3A_55 : vector<16xf32>
    %mul3A_60 = arith.mulf %get3A_53, %div3A_59 : vector<16xf32>
    %add3A_61 = arith.addf %get3A_57, %mul3A_60 : vector<16xf32>
    %swap3A = arith.constant 6240 : index
    %swap3A_62 = tpu.vector_load %arg10[%swap3A] {strides = array<i32>} : memref<6256xf32, #tpu.memory_space<vmem>>, vector<16xf32>,
    tpu.vector_store %arg10[%swap3A], %div3A_59 {strides = array<i32>} : memref<6256xf32, #tpu.memory_space<vmem>>, vector<16xf32>,
    %shift_right_logical3A = arith.constant 7 : i32
    %shift_right_logical3A_63 = vector.broadcast %shift_right_logical3A : i32 to vector<16xi32>
    %shift_right_logical3A_64 = arith.shrui %get3A_51, %shift_right_logical3A_63 : vector<16xi32>
    %and3A = arith.constant 127 : i32
    %and3A_65 = vector.broadcast %and3A : i32 to vector<16xi32>
    %and3A_66 = arith.andi %get3A_51, %and3A_65 : vector<16xi32>
    tpu.vector_store_idx %arg12[%shift_right_logical3A_64, %and3A_66], %add3A_61 masked %lt3A_50 {add = true} : memref<64x128xf32, #tpu.memory_space<vmem>>[vector<16xi32>, vector<16xi32>], vector<16xf32>, vector<16xi1>
    %add3A_67 = arith.constant 32 : i32
    %add3A_68 = vector.broadcast %add3A_67 : i32 to vector<16xi32>
    %add3A_69 = arith.addi %shift_right_logical3A_64, %add3A_68 : vector<16xi32>
    tpu.vector_store_idx %arg12[%add3A_69, %and3A_66], %div3A_59 masked %lt3A_50 {add = true} : memref<64x128xf32, #tpu.memory_space<vmem>>[vector<16xi32>, vector<16xi32>], vector<16xf32>, vector<16xi1>
    "tpu.region"() ({
      %run_scoped3A = tpu.sem_alloc : memref<!tpu.dma_semaphore, #tpu.memory_space<semaphore_mem>>
      %dma_start3A_87 = arith.constant 0 : i32
      %dma_start3A_88 = arith.constant 0 : i32
      %dma_start3A_89 = tpu.memref_slice %arg15[%dma_start3A_87, %dma_start3A_88] : memref<64x128xf32, #tpu.memory_space<vmem_shared>> -> memref<64x128xf32, #tpu.memory_space<vmem_shared>>
      tpu.enqueue_indirect_dma source(%arg12 : memref<64x128xf32, #tpu.memory_space<vmem>>) target(%dma_start3A_89 : memref<64x128xf32, #tpu.memory_space<vmem_shared>>) offsets(%arg13 : memref<64xi32, #tpu.memory_space<vmem>>) semaphore(%run_scoped3A : memref<!tpu.dma_semaphore, #tpu.memory_space<semaphore_mem>>) {add = true}
      %dma_wait3A_90 = arith.constant 0 : i32
      %dma_wait3A_91 = arith.constant 0 : i32
      %dma_wait3A_92 = tpu.memref_slice %arg15[%dma_wait3A_90, %dma_wait3A_91] : memref<64x128xf32, #tpu.memory_space<vmem_shared>> -> memref<64x128xf32, #tpu.memory_space<vmem_shared>>
      tpu.wait_indirect_dma semaphore(%run_scoped3A : memref<!tpu.dma_semaphore, #tpu.memory_space<semaphore_mem>>) src(%arg12 : memref<64x128xf32, #tpu.memory_space<vmem>>) dst(%dma_wait3A_92 : memref<64x128xf32, #tpu.memory_space<vmem_shared>>)
      tpu.yield
    }) : () -> ()
    %barrier3A_70 = arith.constant 0 : index
    tpu.barrier barrier_id(%barrier3A_70)
    "tpu.region"() ({
      %run_scoped3A = tpu.sem_alloc : memref<!tpu.dma_semaphore, #tpu.memory_space<semaphore_mem>>
      tpu.enqueue_dma source(%arg15 : memref<64x128xf32, #tpu.memory_space<vmem_shared>>) target(%arg12 : memref<64x128xf32, #tpu.memory_space<vmem>>) target_semaphore(%run_scoped3A : memref<!tpu.dma_semaphore, #tpu.memory_space<semaphore_mem>>)
      tpu.wait_dma2 semaphore(%run_scoped3A : memref<!tpu.dma_semaphore, #tpu.memory_space<semaphore_mem>>) src(%arg15 : memref<64x128xf32, #tpu.memory_space<vmem_shared>>) dst(%arg12 : memref<64x128xf32, #tpu.memory_space<vmem>>)
      tpu.yield
    }) : () -> ()
    %parallel_loop3A_71 = arith.constant 0 : i32
    %parallel_loop3A_72 = arith.constant 32 : i32
    %parallel_loop3A_73 = arith.constant 1 : i32
    scf.for %parallel_loop3A_87 = %parallel_loop3A_71 to %parallel_loop3A_72 step %parallel_loop3A_73  : i32 {
      %parallel_loop3A_88 = arith.index_cast %parallel_loop3A_87 : i32 to index
      %parallel_loop3A_89 = arith.constant 0 : index
      %parallel_loop3A_90 = tpu.vector_load %arg12[%parallel_loop3A_88, %parallel_loop3A_89] {strides = array<i32>} : memref<64x128xf32, #tpu.memory_space<vmem>>, vector<16xf32>,
      %parallel_loop3A_91 = arith.constant 32 : i32
      %parallel_loop3A_92 = arith.addi %parallel_loop3A_87, %parallel_loop3A_91 : i32
      %parallel_loop3A_93 = arith.index_cast %parallel_loop3A_92 : i32 to index
      %parallel_loop3A_94 = arith.constant 0 : index
      %parallel_loop3A_95 = tpu.vector_load %arg12[%parallel_loop3A_93, %parallel_loop3A_94] {strides = array<i32>} : memref<64x128xf32, #tpu.memory_space<vmem>>, vector<16xf32>,
      %parallel_loop3A_96 = arith.divf %parallel_loop3A_90, %parallel_loop3A_95 : vector<16xf32>
      %parallel_loop3A_97 = arith.constant 128 : i32
      %parallel_loop3A_98 = arith.muli %parallel_loop3A_87, %parallel_loop3A_97 : i32
      %parallel_loop3A_99 = arith.constant 0 : i32
      %parallel_loop3A_100 = arith.addi %parallel_loop3A_98, %parallel_loop3A_99 : i32
      %parallel_loop3A_101 = arith.index_cast %parallel_loop3A_100 : i32 to index
      %parallel_loop3A_102 = tpu.vector_load %arg14[%parallel_loop3A_101] {strides = array<i32>} : memref<4096xf32, #tpu.memory_space<vmem>>, vector<16xf32>,
      tpu.vector_store %arg14[%parallel_loop3A_101], %parallel_loop3A_96 {strides = array<i32>} : memref<4096xf32, #tpu.memory_space<vmem>>, vector<16xf32>,
      %parallel_loop3A_103 = arith.index_cast %parallel_loop3A_87 : i32 to index
      %parallel_loop3A_104 = arith.constant 16 : index
      %parallel_loop3A_105 = tpu.vector_load %arg12[%parallel_loop3A_103, %parallel_loop3A_104] {strides = array<i32>} : memref<64x128xf32, #tpu.memory_space<vmem>>, vector<16xf32>,
      %parallel_loop3A_106 = arith.constant 32 : i32
      %parallel_loop3A_107 = arith.addi %parallel_loop3A_87, %parallel_loop3A_106 : i32
      %parallel_loop3A_108 = arith.index_cast %parallel_loop3A_107 : i32 to index
      %parallel_loop3A_109 = arith.constant 16 : index
      %parallel_loop3A_110 = tpu.vector_load %arg12[%parallel_loop3A_108, %parallel_loop3A_109] {strides = array<i32>} : memref<64x128xf32, #tpu.memory_space<vmem>>, vector<16xf32>,
      %parallel_loop3A_111 = arith.divf %parallel_loop3A_105, %parallel_loop3A_110 : vector<16xf32>
      %parallel_loop3A_112 = arith.constant 128 : i32
      %parallel_loop3A_113 = arith.muli %parallel_loop3A_87, %parallel_loop3A_112 : i32
      %parallel_loop3A_114 = arith.constant 16 : i32
      %parallel_loop3A_115 = arith.addi %parallel_loop3A_113, %parallel_loop3A_114 : i32
      %parallel_loop3A_116 = arith.index_cast %parallel_loop3A_115 : i32 to index
      %parallel_loop3A_117 = tpu.vector_load %arg14[%parallel_loop3A_116] {strides = array<i32>} : memref<4096xf32, #tpu.memory_space<vmem>>, vector<16xf32>,
      tpu.vector_store %arg14[%parallel_loop3A_116], %parallel_loop3A_111 {strides = array<i32>} : memref<4096xf32, #tpu.memory_space<vmem>>, vector<16xf32>,
      %parallel_loop3A_118 = arith.index_cast %parallel_loop3A_87 : i32 to index
      %parallel_loop3A_119 = arith.constant 32 : index
      %parallel_loop3A_120 = tpu.vector_load %arg12[%parallel_loop3A_118, %parallel_loop3A_119] {strides = array<i32>} : memref<64x128xf32, #tpu.memory_space<vmem>>, vector<16xf32>,
      %parallel_loop3A_121 = arith.constant 32 : i32
      %parallel_loop3A_122 = arith.addi %parallel_loop3A_87, %parallel_loop3A_121 : i32
      %parallel_loop3A_123 = arith.index_cast %parallel_loop3A_122 : i32 to index
      %parallel_loop3A_124 = arith.constant 32 : index
      %parallel_loop3A_125 = tpu.vector_load %arg12[%parallel_loop3A_123, %parallel_loop3A_124] {strides = array<i32>} : memref<64x128xf32, #tpu.memory_space<vmem>>, vector<16xf32>,
      %parallel_loop3A_126 = arith.divf %parallel_loop3A_120, %parallel_loop3A_125 : vector<16xf32>
      %parallel_loop3A_127 = arith.constant 128 : i32
      %parallel_loop3A_128 = arith.muli %parallel_loop3A_87, %parallel_loop3A_127 : i32
      %parallel_loop3A_129 = arith.constant 32 : i32
      %parallel_loop3A_130 = arith.addi %parallel_loop3A_128, %parallel_loop3A_129 : i32
      %parallel_loop3A_131 = arith.index_cast %parallel_loop3A_130 : i32 to index
      %parallel_loop3A_132 = tpu.vector_load %arg14[%parallel_loop3A_131] {strides = array<i32>} : memref<4096xf32, #tpu.memory_space<vmem>>, vector<16xf32>,
      tpu.vector_store %arg14[%parallel_loop3A_131], %parallel_loop3A_126 {strides = array<i32>} : memref<4096xf32, #tpu.memory_space<vmem>>, vector<16xf32>,
      %parallel_loop3A_133 = arith.index_cast %parallel_loop3A_87 : i32 to index
      %parallel_loop3A_134 = arith.constant 48 : index
      %parallel_loop3A_135 = tpu.vector_load %arg12[%parallel_loop3A_133, %parallel_loop3A_134] {strides = array<i32>} : memref<64x128xf32, #tpu.memory_space<vmem>>, vector<16xf32>,
      %parallel_loop3A_136 = arith.constant 32 : i32
      %parallel_loop3A_137 = arith.addi %parallel_loop3A_87, %parallel_loop3A_136 : i32
      %parallel_loop3A_138 = arith.index_cast %parallel_loop3A_137 : i32 to index
      %parallel_loop3A_139 = arith.constant 48 : index
      %parallel_loop3A_140 = tpu.vector_load %arg12[%parallel_loop3A_138, %parallel_loop3A_139] {strides = array<i32>} : memref<64x128xf32, #tpu.memory_space<vmem>>, vector<16xf32>,
      %parallel_loop3A_141 = arith.divf %parallel_loop3A_135, %parallel_loop3A_140 : vector<16xf32>
      %parallel_loop3A_142 = arith.constant 128 : i32
      %parallel_loop3A_143 = arith.muli %parallel_loop3A_87, %parallel_loop3A_142 : i32
      %parallel_loop3A_144 = arith.constant 48 : i32
      %parallel_loop3A_145 = arith.addi %parallel_loop3A_143, %parallel_loop3A_144 : i32
      %parallel_loop3A_146 = arith.index_cast %parallel_loop3A_145 : i32 to index
      %parallel_loop3A_147 = tpu.vector_load %arg14[%parallel_loop3A_146] {strides = array<i32>} : memref<4096xf32, #tpu.memory_space<vmem>>, vector<16xf32>,
      tpu.vector_store %arg14[%parallel_loop3A_146], %parallel_loop3A_141 {strides = array<i32>} : memref<4096xf32, #tpu.memory_space<vmem>>, vector<16xf32>,
      %parallel_loop3A_148 = arith.index_cast %parallel_loop3A_87 : i32 to index
      %parallel_loop3A_149 = arith.constant 64 : index
      %parallel_loop3A_150 = tpu.vector_load %arg12[%parallel_loop3A_148, %parallel_loop3A_149] {strides = array<i32>} : memref<64x128xf32, #tpu.memory_space<vmem>>, vector<16xf32>,
      %parallel_loop3A_151 = arith.constant 32 : i32
      %parallel_loop3A_152 = arith.addi %parallel_loop3A_87, %parallel_loop3A_151 : i32
      %parallel_loop3A_153 = arith.index_cast %parallel_loop3A_152 : i32 to index
      %parallel_loop3A_154 = arith.constant 64 : index
      %parallel_loop3A_155 = tpu.vector_load %arg12[%parallel_loop3A_153, %parallel_loop3A_154] {strides = array<i32>} : memref<64x128xf32, #tpu.memory_space<vmem>>, vector<16xf32>,
      %parallel_loop3A_156 = arith.divf %parallel_loop3A_150, %parallel_loop3A_155 : vector<16xf32>
      %parallel_loop3A_157 = arith.constant 128 : i32
      %parallel_loop3A_158 = arith.muli %parallel_loop3A_87, %parallel_loop3A_157 : i32
      %parallel_loop3A_159 = arith.constant 64 : i32
      %parallel_loop3A_160 = arith.addi %parallel_loop3A_158, %parallel_loop3A_159 : i32
      %parallel_loop3A_161 = arith.index_cast %parallel_loop3A_160 : i32 to index
      %parallel_loop3A_162 = tpu.vector_load %arg14[%parallel_loop3A_161] {strides = array<i32>} : memref<4096xf32, #tpu.memory_space<vmem>>, vector<16xf32>,
      tpu.vector_store %arg14[%parallel_loop3A_161], %parallel_loop3A_156 {strides = array<i32>} : memref<4096xf32, #tpu.memory_space<vmem>>, vector<16xf32>,
      %parallel_loop3A_163 = arith.index_cast %parallel_loop3A_87 : i32 to index
      %parallel_loop3A_164 = arith.constant 80 : index
      %parallel_loop3A_165 = tpu.vector_load %arg12[%parallel_loop3A_163, %parallel_loop3A_164] {strides = array<i32>} : memref<64x128xf32, #tpu.memory_space<vmem>>, vector<16xf32>,
      %parallel_loop3A_166 = arith.constant 32 : i32
      %parallel_loop3A_167 = arith.addi %parallel_loop3A_87, %parallel_loop3A_166 : i32
      %parallel_loop3A_168 = arith.index_cast %parallel_loop3A_167 : i32 to index
      %parallel_loop3A_169 = arith.constant 80 : index
      %parallel_loop3A_170 = tpu.vector_load %arg12[%parallel_loop3A_168, %parallel_loop3A_169] {strides = array<i32>} : memref<64x128xf32, #tpu.memory_space<vmem>>, vector<16xf32>,
      %parallel_loop3A_171 = arith.divf %parallel_loop3A_165, %parallel_loop3A_170 : vector<16xf32>
      %parallel_loop3A_172 = arith.constant 128 : i32
      %parallel_loop3A_173 = arith.muli %parallel_loop3A_87, %parallel_loop3A_172 : i32
      %parallel_loop3A_174 = arith.constant 80 : i32
      %parallel_loop3A_175 = arith.addi %parallel_loop3A_173, %parallel_loop3A_174 : i32
      %parallel_loop3A_176 = arith.index_cast %parallel_loop3A_175 : i32 to index
      %parallel_loop3A_177 = tpu.vector_load %arg14[%parallel_loop3A_176] {strides = array<i32>} : memref<4096xf32, #tpu.memory_space<vmem>>, vector<16xf32>,
      tpu.vector_store %arg14[%parallel_loop3A_176], %parallel_loop3A_171 {strides = array<i32>} : memref<4096xf32, #tpu.memory_space<vmem>>, vector<16xf32>,
      %parallel_loop3A_178 = arith.index_cast %parallel_loop3A_87 : i32 to index
      %parallel_loop3A_179 = arith.constant 96 : index
      %parallel_loop3A_180 = tpu.vector_load %arg12[%parallel_loop3A_178, %parallel_loop3A_179] {strides = array<i32>} : memref<64x128xf32, #tpu.memory_space<vmem>>, vector<16xf32>,
      %parallel_loop3A_181 = arith.constant 32 : i32
      %parallel_loop3A_182 = arith.addi %parallel_loop3A_87, %parallel_loop3A_181 : i32
      %parallel_loop3A_183 = arith.index_cast %parallel_loop3A_182 : i32 to index
      %parallel_loop3A_184 = arith.constant 96 : index
      %parallel_loop3A_185 = tpu.vector_load %arg12[%parallel_loop3A_183, %parallel_loop3A_184] {strides = array<i32>} : memref<64x128xf32, #tpu.memory_space<vmem>>, vector<16xf32>,
      %parallel_loop3A_186 = arith.divf %parallel_loop3A_180, %parallel_loop3A_185 : vector<16xf32>
      %parallel_loop3A_187 = arith.constant 128 : i32
      %parallel_loop3A_188 = arith.muli %parallel_loop3A_87, %parallel_loop3A_187 : i32
      %parallel_loop3A_189 = arith.constant 96 : i32
      %parallel_loop3A_190 = arith.addi %parallel_loop3A_188, %parallel_loop3A_189 : i32
      %parallel_loop3A_191 = arith.index_cast %parallel_loop3A_190 : i32 to index
      %parallel_loop3A_192 = tpu.vector_load %arg14[%parallel_loop3A_191] {strides = array<i32>} : memref<4096xf32, #tpu.memory_space<vmem>>, vector<16xf32>,
      tpu.vector_store %arg14[%parallel_loop3A_191], %parallel_loop3A_186 {strides = array<i32>} : memref<4096xf32, #tpu.memory_space<vmem>>, vector<16xf32>,
      %parallel_loop3A_193 = arith.index_cast %parallel_loop3A_87 : i32 to index
      %parallel_loop3A_194 = arith.constant 112 : index
      %parallel_loop3A_195 = tpu.vector_load %arg12[%parallel_loop3A_193, %parallel_loop3A_194] {strides = array<i32>} : memref<64x128xf32, #tpu.memory_space<vmem>>, vector<16xf32>,
      %parallel_loop3A_196 = arith.constant 32 : i32
      %parallel_loop3A_197 = arith.addi %parallel_loop3A_87, %parallel_loop3A_196 : i32
      %parallel_loop3A_198 = arith.index_cast %parallel_loop3A_197 : i32 to index
      %parallel_loop3A_199 = arith.constant 112 : index
      %parallel_loop3A_200 = tpu.vector_load %arg12[%parallel_loop3A_198, %parallel_loop3A_199] {strides = array<i32>} : memref<64x128xf32, #tpu.memory_space<vmem>>, vector<16xf32>,
      %parallel_loop3A_201 = arith.divf %parallel_loop3A_195, %parallel_loop3A_200 : vector<16xf32>
      %parallel_loop3A_202 = arith.constant 128 : i32
      %parallel_loop3A_203 = arith.muli %parallel_loop3A_87, %parallel_loop3A_202 : i32
      %parallel_loop3A_204 = arith.constant 112 : i32
      %parallel_loop3A_205 = arith.addi %parallel_loop3A_203, %parallel_loop3A_204 : i32
      %parallel_loop3A_206 = arith.index_cast %parallel_loop3A_205 : i32 to index
      %parallel_loop3A_207 = tpu.vector_load %arg14[%parallel_loop3A_206] {strides = array<i32>} : memref<4096xf32, #tpu.memory_space<vmem>>, vector<16xf32>,
      tpu.vector_store %arg14[%parallel_loop3A_206], %parallel_loop3A_201 {strides = array<i32>} : memref<4096xf32, #tpu.memory_space<vmem>>, vector<16xf32>,
    } {sc.loop_unroll_factor = 2 : i64, sc.parallel_access}
    %parallel_loop3A_74 = arith.constant 0 : i32
    %parallel_loop3A_75 = arith.constant 6240 : i32
    %parallel_loop3A_76 = arith.constant 16 : i32
    scf.for %parallel_loop3A_87 = %parallel_loop3A_74 to %parallel_loop3A_75 step %parallel_loop3A_76  : i32 {
      %parallel_loop3A_88 = arith.constant 8 : i32
      %parallel_loop3A_89 = arith.addi %parallel_loop3A_88, %parallel_loop3A_87 : i32
      %parallel_loop3A_90 = arith.index_cast %parallel_loop3A_89 : i32 to index
      %parallel_loop3A_91 = tpu.vector_load %arg6[%parallel_loop3A_90] {strides = array<i32>} : memref<6264xi32, #tpu.memory_space<vmem>>, vector<16xi32>,
      %parallel_loop3A_92 = arith.index_cast %parallel_loop3A_87 : i32 to index
      %parallel_loop3A_93 = tpu.vector_load %arg7[%parallel_loop3A_92] {strides = array<i32>} : memref<6256xf32, #tpu.memory_space<vmem>>, vector<16xf32>,
      %parallel_loop3A_94 = arith.index_cast %parallel_loop3A_87 : i32 to index
      %parallel_loop3A_95 = tpu.vector_load %arg10[%parallel_loop3A_94] {strides = array<i32>} : memref<6256xf32, #tpu.memory_space<vmem>>, vector<16xf32>,
      %parallel_loop3A_96 = tpu.vector_load_idx %arg14[%parallel_loop3A_91] : memref<4096xf32, #tpu.memory_space<vmem>>[vector<16xi32>], vector<16xf32>,
      %parallel_loop3A_97 = arith.subf %parallel_loop3A_96, %parallel_loop3A_93 : vector<16xf32>
      %parallel_loop3A_98 = arith.mulf %parallel_loop3A_95, %parallel_loop3A_97 : vector<16xf32>
      %parallel_loop3A_99 = arith.index_cast %parallel_loop3A_87 : i32 to index
      %parallel_loop3A_100 = tpu.vector_load %arg11[%parallel_loop3A_99] {strides = array<i32>} : memref<6256xf32, #tpu.memory_space<vmem>>, vector<16xf32>,
      tpu.vector_store %arg11[%parallel_loop3A_99], %parallel_loop3A_98 {strides = array<i32>} : memref<6256xf32, #tpu.memory_space<vmem>>, vector<16xf32>,
    } {sc.loop_unroll_factor = 6 : i64, sc.parallel_access}
    %get3A_77 = arith.constant 6248 : index
    %get3A_78 = tpu.vector_load %arg6[%get3A_77] {strides = array<i32>} : memref<6264xi32, #tpu.memory_space<vmem>>, vector<16xi32>,
    %get3A_79 = arith.constant 6240 : index
    %get3A_80 = tpu.vector_load %arg7[%get3A_79] {strides = array<i32>} : memref<6256xf32, #tpu.memory_space<vmem>>, vector<16xf32>,
    %get3A_81 = arith.constant 6240 : index
    %get3A_82 = tpu.vector_load %arg10[%get3A_81] {strides = array<i32>} : memref<6256xf32, #tpu.memory_space<vmem>>, vector<16xf32>,
    %gather3A = tpu.vector_load_idx %arg14[%get3A_78] : memref<4096xf32, #tpu.memory_space<vmem>>[vector<16xi32>], vector<16xf32>,
    %sub3A_83 = arith.subf %gather3A, %get3A_80 : vector<16xf32>
    %mul3A_84 = arith.mulf %get3A_82, %sub3A_83 : vector<16xf32>
    %swap3A_85 = arith.constant 6240 : index
    %swap3A_86 = tpu.vector_load %arg11[%swap3A_85] {strides = array<i32>} : memref<6256xf32, #tpu.memory_space<vmem>>, vector<16xf32>,
    tpu.vector_store %arg11[%swap3A_85], %mul3A_84 {strides = array<i32>} : memref<6256xf32, #tpu.memory_space<vmem>>, vector<16xf32>,
    "tpu.region"() ({
      %run_scoped3A = tpu.sem_alloc : memref<!tpu.dma_semaphore, #tpu.memory_space<semaphore_mem>>
      %dma_start3A_87 = tpu.memref_slice %arg5[%add3A] : memref<100000xf32, #tpu.memory_space<hbm>> -> memref<6256xf32, #tpu.memory_space<hbm>>
      %dma_start3A_88 = tpu.memref_slice %arg5[%add3A] : memref<100000xf32, #tpu.memory_space<hbm>> -> memref<6256xf32, #tpu.memory_space<hbm>>
      tpu.enqueue_dma source(%arg11 : memref<6256xf32, #tpu.memory_space<vmem>>) target(%dma_start3A_88 : memref<6256xf32, #tpu.memory_space<hbm>>) target_semaphore(%run_scoped3A : memref<!tpu.dma_semaphore, #tpu.memory_space<semaphore_mem>>)
      %dma_wait3A_89 = tpu.memref_slice %arg5[%add3A] : memref<100000xf32, #tpu.memory_space<hbm>> -> memref<6256xf32, #tpu.memory_space<hbm>>
      %dma_wait3A_90 = tpu.memref_slice %arg5[%add3A] : memref<100000xf32, #tpu.memory_space<hbm>> -> memref<6256xf32, #tpu.memory_space<hbm>>
      tpu.wait_dma2 semaphore(%run_scoped3A : memref<!tpu.dma_semaphore, #tpu.memory_space<semaphore_mem>>) src(%arg11 : memref<6256xf32, #tpu.memory_space<vmem>>) dst(%dma_wait3A_90 : memref<6256xf32, #tpu.memory_space<hbm>>)
      tpu.yield
    }) : () -> ()
    return
  }
}

</mosaic_0001>

<sc_bundles>
// kernel: kernel.3.cloned.1.call-start
scs
__scs_entry_jumppad:
0x0: {  	(pc) =	sbr.rel $0x88, $3  }
0x1: {  	(tag) =	ssettag $0x0;
	lr =	simm.s32 $0x1  }
0x2: {  	[smem:$0x3F9E] =	sst lr;
	_ =	strace $0xD0000000  }
0x3: {  	_ = 	snop  }
0x4: {  	_ = 	snop  }
0x5: {  	_ = 	snop  }
0x6: {  	_ = 	snop  }
0x7: {  	_ = 	snop  }
__scs_overlays_trampoline_lowered:
0x8: {  	[smem:$0x3FAD] =	sst s0  }
0x9: {  	[smem:$0x3FAE] =	sst s1  }
0xa: {  	[smem:$0x3FAF] =	sst s2  }
0xb: {  	[smem:$0x3FB0] =	sst s3  }
0xc: {  	[smem:$0x3FB1] =	sst s4  }
0xd: {  	[smem:$0x3FB2] =	sst s5  }
0xe: {  	[smem:$0x3FB3] =	sst s6  }
0xf: {  	[smem:$0x3FB4] =	sst s7  }
0x10: {  	[smem:$0x3FB5] =	sst s8  }
0x11: {  	[smem:$0x3FB6] =	sst s9;
	s0 =	simm.s32 @!p0 $0x0  }
0x12: {  	s1 =	sld [smem:$0x3F9C];
	s0 =	simm.s32 @p0 $0x1  }
0x13: {  	[smem:$0x3FB7] =	sst s0;
	s0 =	simm.s32 @!p1 $0x0  }
0x14: {  	s2 =	sld [smem:$0x3F9B];
	s0 =	simm.s32 @p1 $0x1  }
0x15: {  	[smem:$0x3FB8] =	sst s0;
	s0 =	simm.s32 @!p2 $0x0  }
0x16: {  	s3 =	sld [smem:$0x3FDB];
	s0 =	simm.s32 @p2 $0x1  }
0x17: {  	s4 =	simm.s32 $0x1BF5;
	[smem:$0x3FBA] =	sst s0  }
0x18: {  	s0 =	sld [smem:$0x3F9D];
	_ =	swait.ge [sflag:s4], $0x0  }
0x19: {  	s7 =	sld [smem:$0x3F9E]  }
0x1a: {  	s8 =	sadd.s32 $0xFFFFE003, lr  }
0x1b: {  	s9 =	sadd.s32 $0xFFFFFEF7, lr;
	s5 =	simm.s32 $0xFFFFFFFF;
	p2 =	slt.u32 s8, $0xFFFFF086  }
0x1c: {  	p1 =	slt.u32 s9, $0xF7A;
	s5 =	simm.s32 @!p2 $0x0  }
0x1d: {  	s5 =	simm.s32 @p1 $0x1;
	p0 =	seq.s32 s7, s2  }
0x1e: {  	s7 =	smul.u32 @!p0 $0xF7A, s2;
	p2 =	seq.s32 @!p0 s5, $0x0  }
0x1f: {  	s9 =	smul.u32 $0xF7A, s1;
	s8 =	simm.s32 @!p0 $0x1BF5;
	p2 =	por !p2, p0  }
0x20: {  	[sflag:s8] =	ssyncset.s32 @!p0 $0xFFFFF086;
	s6 =	sadd.s32 @!p0 s3, s7;
	s7 =	simm.s32 @!p0 $0x108  }
0x21: {  	s3 =	sadd.s32 s3, s9;
	s6 =	sadd.s32 @!p0 $0x88, s6;
	s7 =	simm.s32 @p2 $0x1082  }
0x22: {  	[simem:s7], [sflag:s8] =	dma.local @!p0 [hbm:s6], $0xF7A  }
0x23: {  	s9 =	sor.u32 $0xD0000000, s2;
	s6 =	simm.s32 $0x108;
	_ =	swait.ge @!p0 [sflag:s8], $0x0  }
0x24: {  	s3 =	sadd.s32 $0x88, s3;
	s6 =	simm.s32 @!p1 $0x1082;
	[sflag:s4] =	ssyncset.s32 $0xFFFFF086  }
0x25: {  	[simem:s6], [sflag:s4] =	dma.local [hbm:s3], $0xF7A  }
0x26: {  	[smem:$0x3F9E] =	sst s1;
	(tag) =	ssettag s2;
	_ =	strace s9  }
0x27: {  	s1 =	sld [smem:$0x3FAE]  }
0x28: {  	s2 =	sld [smem:$0x3FAF]  }
0x29: {  	s4 =	sld [smem:$0x3FB1]  }
0x2a: {  	p0 =	seq.s32 s5, $0x0;
	s5 =	sld [smem:$0x3FB2]  }
0x2b: {  	s6 =	sld [smem:$0x3FB3]  }
0x2c: {  	s7 =	sld [smem:$0x3FB4]  }
0x2d: {  	s3 =	simm.s32 $0x108;
	s8 =	sld [smem:$0x3FB5]  }
0x2e: {  	s3 =	simm.s32 @!p0 $0x1082;
	s9 =	sld [smem:$0x3FB6]  }
0x2f: {  	lr =	sadd.s32 s0, s3;
	s0 =	sld [smem:$0x3FAD]  }
0x30: {  	s3 =	sld [smem:$0x3FB0]  }
0x31: {  	[smem:$0x3FB9] =	sst s10  }
0x32: {  	s10 =	sld [smem:$0x3FB7];
	_ =	sdelay $0x3  }
0x33: {  	p0 =	seq.s32 s10, $0x1;
	s10 =	sld [smem:$0x3FB9];
	_ =	sdelay $0x3  }
0x34: {  	[smem:$0x3FB9] =	sst s10  }
0x35: {  	s10 =	sld [smem:$0x3FB8];
	_ =	sdelay $0x3  }
0x36: {  	p1 =	seq.s32 s10, $0x1;
	s10 =	sld [smem:$0x3FB9];
	_ =	sdelay $0x3  }
0x37: {  	[smem:$0x3FB9] =	sst s10  }
0x38: {  	s10 =	sld [smem:$0x3FBA]  }
0x39: {  	_ = 	snop;
	(pc) =	sbr.ind lr, $3  }
0x3a: {  	_ = 	snop  }
0x3b: {  	_ = 	snop  }
0x3c: {  	p2 =	seq.s32 s10, $0x1;
	s10 =	sld [smem:$0x3FB9]  }
0x3d: {  	_ =	shalt  }
0x3e: {  	_ =	shalt  }
0x3f: {  	_ =	shalt  }
0x40: {  	_ =	shalt  }
0x41: {  	_ =	shalt  }
0x42: {  	_ =	shalt  }
0x43: {  	_ =	shalt  }
0x44: {  	_ =	shalt  }
0x45: {  	_ =	shalt  }
0x46: {  	_ =	shalt  }
0x47: {  	_ =	shalt  }
0x48: {  	_ =	shalt  }
0x49: {  	_ =	shalt  }
0x4a: {  	_ =	shalt  }
0x4b: {  	_ =	shalt  }
0x4c: {  	_ =	shalt  }
0x4d: {  	_ =	shalt  }
0x4e: {  	_ =	shalt  }
0x4f: {  	_ =	shalt  }
0x50: {  	_ =	shalt  }
0x51: {  	_ =	shalt  }
0x52: {  	_ =	shalt  }
0x53: {  	_ =	shalt  }
0x54: {  	_ =	shalt  }
0x55: {  	_ =	shalt  }
0x56: {  	_ =	shalt  }
0x57: {  	_ =	shalt  }
0x58: {  	_ =	shalt  }
0x59: {  	_ =	shalt  }
0x5a: {  	_ =	shalt  }
0x5b: {  	_ =	shalt  }
0x5c: {  	_ =	shalt  }
0x5d: {  	_ =	shalt  }
0x5e: {  	_ =	shalt  }
0x5f: {  	_ =	shalt  }
0x60: {  	_ =	shalt  }
0x61: {  	_ =	shalt  }
0x62: {  	_ =	shalt  }
0x63: {  	_ =	shalt  }
0x64: {  	_ =	shalt  }
0x65: {  	_ =	shalt  }
0x66: {  	_ =	shalt  }
0x67: {  	_ =	shalt  }
0x68: {  	_ =	shalt  }
0x69: {  	_ =	shalt  }
0x6a: {  	_ =	shalt  }
0x6b: {  	_ =	shalt  }
0x6c: {  	_ =	shalt  }
0x6d: {  	_ =	shalt  }
0x6e: {  	_ =	shalt  }
0x6f: {  	_ =	shalt  }
0x70: {  	_ =	shalt  }
0x71: {  	_ =	shalt  }
0x72: {  	_ =	shalt  }
0x73: {  	_ =	shalt  }
0x74: {  	_ =	shalt  }
0x75: {  	_ =	shalt  }
0x76: {  	_ =	shalt  }
0x77: {  	_ =	shalt  }
0x78: {  	_ =	shalt  }
0x79: {  	_ =	shalt  }
0x7a: {  	_ =	shalt  }
0x7b: {  	_ =	shalt  }
0x7c: {  	_ =	shalt  }
0x7d: {  	_ =	shalt  }
0x7e: {  	_ =	shalt  }
0x7f: {  	_ =	shalt  }
0x80: {  	_ =	shalt  }
0x81: {  	_ =	shalt  }
0x82: {  	_ =	shalt  }
0x83: {  	_ =	shalt  }
0x84: {  	_ =	shalt  }
0x85: {  	_ =	shalt  }
0x86: {  	_ =	shalt  }
0x87: {  	_ =	shalt  }
.Lfunc_end0:
.L_simem_size_0:
called_computation_lowered:
.L_overlay_start_0:
0x88: {  	s0 =	sld [smem:$0x3FD9]  }
0x89: {  	s1 =	sld [smem:$0x3FFE];
	_ =	sdelay $0x3  }
0x8a: {  	s0 =	sadd.s32 s1, s0  }
0x8b: {  	[smem:$0x3FC5] =	sst s0  }
0x8c: {  	_ = 	snop  }
0x8d: {  	s0 =	sld [smem:$0x3FC8]  }
0x8e: {  	s16 =	sld [smem:$0x3FC7]  }
0x8f: {  	s2 =	sld [smem:$0x3FD0];
	(tm) =	ssettm $0x1  }
0x90: {  	s3 =	sld [smem:$0x3FFB];
	_ =	sdelay $0x3  }
0x91: {  	_ =	strace s3  }
0x92: {  	s3 =	sld [smem:$0x3FFC];
	_ =	sdelay $0x3  }
0x93: {  	_ =	strace s3  }
0x94: {  	s3 =	sld [smem:$0x3FFD];
	_ =	sdelay $0x3  }
0x95: {  	_ =	strace s3  }
0x96: {  	_ =	strace $0x8FFFFFFF  }
0x97: {  	s17 =	sld [smem:$0x3FDB];
	_ =	sdelay $0x1  }
0x98: {  	s4 =	simm.s32 $_scs_section_size  }
0x99: {  	s5 =	simm.s32 $_size__tile_overlayer_lowered;
	s6 =	simm.s32 $_tile_overlayer_lowered  }
0x9a: {  	s20 =	simm.s32 $0x1BFF;
	s19 =	sshll.u32 s6, $0x1;
	s3 =	sadd.s32 s4, s17  }
0x9b: {  	s7 =	simm.s32 $0x0;
	s18 =	sshll.u32 s5, $0x1;
	s5 =	sadd.s32 s19, s3  }
0x9c: {  	[timem:s7], [sflag:s20] =	dma.local [hbm:s5], s18  }
0x9d: {  	_ =	swait.ge [sflag:s20], s18  }
0x9e: {  	s4 =	ssub.s32 $0x0, s18;
	[sflag:s20] =	ssyncset.done $0x0  }
0x9f: {  	[sflag:s20] =	ssyncadd.s32 s4;
	_ =	sdelay $0x1  }
0xa0: {  	s21 =	simm.s32 $0x1B8B  }
0xa1: {  	_ =	swait.ge [sflag:s21], $0x1  }
0xa2: {  	[sflag:s21] =	ssyncset.done $0x0  }
0xa3: {  	s23 =	simm.s32 $0x1B8E;
	s22 =	sld [smem:$0x3FFE];
	[sflag:s21] =	ssyncadd.s32 $0xFFFFFFFF  }
0xa4: {  	s24 =	simm.s32 $execute0_lowered;
	[smem:$0x3FD2] =	sst s23  }
0xa5: {  	s5 =	sshll.u32 s24, $0x1;
	_ =	strace $0x80000046;
	[dreg:$0x1] =	wrdreg $0xFFFFFFFF  }
0xa6: {  	s25 =	simm.s32 $_size_execute0_lowered;
	s3 =	sadd.s32 s3, s5;
	[dreg:$0x0] =	wrdreg $0x0  }
0xa7: {  	s5 =	sshll.u32 s25, $0x1;
	[dreg:$0x2] =	wrdreg s3  }
0xa8: {  	[dreg:$0x3] =	wrdreg s5  }
0xa9: {  	[dreg:$0x4] =	wrdreg $0xC0  }
0xaa: {  	_ =	task [dreg:s7], $0x5FFFF  }
0xab: {  	[dreg:$0x1] =	wrdreg $0xFFFFFFFF  }
0xac: {  	[dreg:$0x0] =	wrdreg $0x60  }
0xad: {  	[dreg:$0x2] =	wrdreg s16  }
0xae: {  	[dreg:$0x3] =	wrdreg s22  }
0xaf: {  	[dreg:$0x4] =	wrdreg s0  }
0xb0: {  	[dreg:$0x5] =	wrdreg s2  }
0xb1: {  	[dreg:$0x6] =	wrdreg $0xC3800  }
0xb2: {  	[dreg:$0x7] =	wrdreg $0x9  }
0xb3: {  	_ =	task.clear_ibuf [dreg:s7], $0x8FFFF;
	_ =	strace $0x90000046  }
0xb4: {  	s26 =	simm.s32 $0x9;
	_ =	strace $0x80000048  }
0xb5: {  	_ =	swait.ge [sflag:s26], $0x1  }
0xb6: {  	[sflag:s26] =	ssyncadd.s32 $0xFFFFFFFF  }
0xb7: {  	_ =	strace $0x90000048  }
0xb8: {  	_ =	sfence  }
0xb9: {  	s28 =	sld [smem:$0x0];
	_ =	sdelay $0x1  }
0xba: {  	s29 =	srdreg.scid  }
0xbb: {  	s30 =	sshll.u32 s29, $0xD;
	s31 =	sshrl.u32 s29, $0x2  }
0xbc: {  	s1 =	sand.u32 $0x1, s29;
	s2 =	sand.u32 $0x4000, s30;
	s0 =	sadd.s32 s31, s28  }
0xbd: {  	s1 =	sor.u32 s2, s1;
	s0 =	sshll.u32 s0, $0x11  }
0xbe: {  	s0 =	sor.u32 s0, s1  }
0xbf: {  	s0 =	sadd.s32 $0x8F2B, s0  }
0xc0: {  	[sflag:s0] =	ssyncadd.remote.s32 $0x1  }
0xc1: {  	_ =	sfence.sel $0xFFFF  }
0xc2: {  	[dreg:$0x0] =	wrdreg $0xFFFFFFFF;
	(pc) =	sbr.abs _section_cstart, $3  }
0xc3: {  	[dreg:$0x1] =	wrdreg $0xFFFFFFFF  }
0xc4: {  	_ =	task.clear_ibuf [dreg:s7], $0x2FFFF;
	_ =	strace $0x9FFFFFFF  }
0xc5: {  	(tm) =	ssettm $0x7FFFFFFF  }
tec
execute0_lowered:
.L_overlay_start_1:
0x0: {  	(tag) =	ssettag $0x1  }
0x1: {  	s4 =	rddreg [dreg:$0x0]  }
0x2: {  	s6 =	rddreg [dreg:$0x1];
	s3 =	stileid.u32  }
0x3: {  	s7 =	rddreg [dreg:$0x2];
	s5 =	smul.u32 $0x1868, s3;
	s0 =	smax.u32 s3, $0xC  }
0x4: {  	s1 =	rddreg [dreg:$0x3];
	s8 =	sshll.u32 s0, $0x3  }
0x5: {  	s2 =	rddreg [dreg:$0x4];
	s9 =	simm.s32 $0x0;
	s5 =	sadd.s32 s8, s5  }
0x6: {  	[smem:$0x7FF] =	sst s9;
	s5 =	sadd.s32 $0xFFFFFFA0, s5  }
0x7: {  	s24 =	simm.s32 $0x8;
	s0 =	rddreg [dreg:$0x5];
	s5 =	sshrl.u32 s5, $0x3  }
0x8: {  	_ =	strace $0x80000047;
	s6 =	sadd.s32 s5, s6;
	s4 =	sadd.s32 s4, s5  }
0x9: {  	[tilespmem:s24], [sflag:$0x1] =	stream.linear.gather [hbm4b:s4+s9], $0x1870, $0x38;
	[tilespmem:$0xC580] =	vst v63  }
0xa: {  	s26 =	simm.s32 $0x1880;
	s25 =	sadd.s32 $0x400, s6  }
0xb: {  	[tilespmem:s26], [sflag:$0x1] =	stream.linear.gather [hbm4b:s25+s9], $0x1870, $0x38;
	[tilespmem:$0xC580] =	vst v63  }
0xc: {  	s29 =	simm.s32 $0x3100;
	s28 =	sadd.s32 $0x34D4, s6  }
0xd: {  	[tilespmem:s29], [sflag:$0x1] =	stream.linear.gather [hbm4b:s28+s9], $0x1870, $0x38;
	[tilespmem:$0xC580] =	vst v63  }
0xe: {  	s31 =	simm.s32 $0x4980;
	s30 =	sadd.s32 s7, s5;
	s4 =	simm.s32 $0x9380  }
0xf: {  	v0 =	vimm.f32 $0.0e+00;
	[tilespmem:s31], [sflag:$0x1] =	stream.linear.gather [hbm4b:s30+s9], $0x1870, $0x38;
	[tilespmem:$0xC580] =	vst v63  }
0x10: {  	[tilespmem:s4+$0xFFFFFF80] =	vst v0  }
0x11: {  	[tilespmem:s4+$0x70] =	vst v0  }
0x12: {  	[tilespmem:s4+$0x60] =	vst v0  }
0x13: {  	[tilespmem:s4+$0x50] =	vst v0  }
0x14: {  	[tilespmem:s4+$0x40] =	vst v0  }
0x15: {  	[tilespmem:s4+$0x30] =	vst v0  }
0x16: {  	[tilespmem:s4+$0x20] =	vst v0  }
0x17: {  	[tilespmem:s4+$0x10] =	vst v0  }
0x18: {  	[tilespmem:s4+$0x0] =	vst v0  }
0x19: {  	[tilespmem:s4+$0xFFFFFFF0] =	vst v0  }
0x1a: {  	[tilespmem:s4+$0xFFFFFFE0] =	vst v0  }
0x1b: {  	[tilespmem:s4+$0xFFFFFFD0] =	vst v0  }
0x1c: {  	[tilespmem:s4+$0xFFFFFFC0] =	vst v0  }
0x1d: {  	[tilespmem:s4+$0xFFFFFFB0] =	vst v0  }
0x1e: {  	s6 =	simm.s32 $0x0;
	[tilespmem:s4+$0xFFFFFFA0] =	vst v0  }
.LBB2_1:
0x1f: {  	s6 =	sadd.s32 $0x2, s6;
	[tilespmem:s4+$0xFFFFFF90] =	vst v0;
	s4 =	sadd.s32 $0x100, s4  }
0x20: {  	[tilespmem:s4+$0xFFFFFF80] =	vst v0;
	p0 =	slt.u32 s6, $0x3E  }
0x21: {  	[tilespmem:s4+$0x70] =	vst v0  }
0x22: {  	[tilespmem:s4+$0x60] =	vst v0  }
0x23: {  	[tilespmem:s4+$0x50] =	vst v0  }
0x24: {  	[tilespmem:s4+$0x40] =	vst v0  }
0x25: {  	[tilespmem:s4+$0x30] =	vst v0  }
0x26: {  	[tilespmem:s4+$0x20] =	vst v0  }
0x27: {  	[tilespmem:s4+$0x10] =	vst v0  }
0x28: {  	[tilespmem:s4+$0x0] =	vst v0  }
0x29: {  	[tilespmem:s4+$0xFFFFFFF0] =	vst v0  }
.Ltmp0:
0x2a: {  	[tilespmem:s4+$0xFFFFFFE0] =	vst v0;
	(pc) =	sbr.rel @p0 .LBB2_1-.Ltmp0, $4  }
0x2b: {  	[tilespmem:s4+$0xFFFFFFD0] =	vst v0  }
0x2c: {  	[tilespmem:s4+$0xFFFFFFC0] =	vst v0  }
0x2d: {  	[tilespmem:s4+$0xFFFFFFB0] =	vst v0  }
0x2e: {  	[tilespmem:s4+$0xFFFFFFA0] =	vst v0  }
0x2f: {  	v1 =	vlaneseq.u32;
	s6 =	simm.s32 $0x0  }
0x30: {  	[tilespmem:s4+$0xFFFFFF90] =	vst v0;
	s4 =	simm.s32 $0xB300;
	v0 =	vor.u32 s6, v1  }
0x31: {  	[tilespmem:s4+$0x0] =	vst v0  }
.LBB2_3:
0x32: {  	s6 =	sadd.s32 $0x10, s6  }
0x33: {  	p0 =	slt.u32 s6, $0x30  }
.Ltmp1:
0x34: {  	_ = 	snop;
	(pc) =	sbr.rel @p0 .LBB2_3-.Ltmp1, $4  }
0x35: {  	_ = 	snop  }
0x36: {  	s4 =	sadd.s32 $0x10, s4  }
0x37: {  	v0 =	vor.u32 s6, v1  }
0x38: {  	[tilespmem:s4+$0x0] =	vst v0  }
0x39: {  	p0 =	sne.s32 s3, $0x0  }
0x3a: {  	s4 =	simm.s32 @!p0 $0x9300  }
0x3b: {  	[spmem:s2] =	stream.linear.scatter @!p0 [tilespmem:s4], [sflag:$0x2], $0x2000, $0x38;
	[tilespmem:$0xC580] =	vst v63  }
0x3c: {  	s4 =	simm.s32 @!p0 $0x2  }
0x3d: {  	_ =	swait.ge @!p0 [sflag:s4], $0x2000  }
0x3e: {  	[sflag:s4] =	ssyncset.done @!p0 $0x0  }
0x3f: {  	[sflag:s4] =	ssyncadd.s32 @!p0 $0xFFFFE000  }
0x40: {  	s31 =	simm.s32 $0x1;
	[bflag:$0x0] =	sbarrier.arrive $0xFFFF  }
0x41: {  	_ =	swait.ge [sflag:s31], $0x1870  }
0x42: {  	[sflag:s31] =	ssyncset.done $0x0  }
0x43: {  	[sflag:s31] =	ssyncadd.s32 $0xFFFFE790  }
0x44: {  	_ =	swait.ge [sflag:s31], $0x1870  }
0x45: {  	[sflag:s31] =	ssyncset.done $0x0  }
0x46: {  	[sflag:s31] =	ssyncadd.s32 $0xFFFFE790  }
0x47: {  	_ =	swait.ge [sflag:s31], $0x1870  }
0x48: {  	[sflag:s31] =	ssyncset.done $0x0  }
0x49: {  	[sflag:s31] =	ssyncadd.s32 $0xFFFFE790  }
0x4a: {  	_ =	swait.ge [sflag:s31], $0x1870  }
0x4b: {  	[sflag:s31] =	ssyncset.done $0x0  }
0x4c: {  	s8 =	simm.s32 $0x3130;
	[sflag:s31] =	ssyncadd.s32 $0xFFFFE790  }
0x4d: {  	v0 =	vld [tilespmem:s8+$0xFFFFFFD0]  }
0x4e: {  	s7 =	simm.s32 $0x18B0;
	v1 =	vld [tilespmem:s8+$0xFFFFFFE0]  }
0x4f: {  	v4 =	vld [tilespmem:s7+$0xFFFFFFE0]  }
0x50: {  	s4 =	simm.s32 $0x49B0;
	v2 =	vld [tilespmem:s8+$0x10]  }
0x51: {  	v8 =	vld [tilespmem:s4+$0xFFFFFFE0]  }
0x52: {  	s6 =	simm.s32 $0x37;
	v7 =	vld [tilespmem:s4+$0xFFFFFFD0];
	(erf) = vrcp.f32 v0  }
0x53: {  	v0 =	vld [tilespmem:s6+$0x21];
	(erf) = vrcp.f32 v1  }
0x54: {  	v1 =	vld [tilespmem:s6+$0x20]  }
0x55: {  	v9 =	vld [tilespmem:s7+$0xFFFFFFD0];
	(erf) = vrcp.f32 v2  }
0x56: {  	v10 =	vld [tilespmem:s6+$0x12]  }
0x57: {  	v5 =	vld [tilespmem:s6+$0x10]  }
0x58: {  	v3 =	vlaneseq.u32;
	v11 =	vld [tilespmem:s7+$0x10]  }
0x59: {  	v3 =	vor.u32 $0x80000000, v3;
	v15 =	vld [tilespmem:s6+$0xFFFFFFE2];
	vm0 =	veq.s32 v0, v1  }
0x5a: {  	v6 =	vld [tilespmem:s6+$0x11];
	v12 =	vsel vm0, $0x80000000, v3  }
0x5b: {  	v14 =	vld [tilespmem:s4+$0x10];
	(xrf0) =	vmax.scan.msk.u32 $0xffff, v12;
	v13 =	vpop (erf)  }
0x5c: {  	v1 =	vld [tilespmem:s8+$0xFFFFFFF0];
	(xrf2) =	vadd.scan.msk.f32 $0xffff, v13;
	v17 =	vpop (erf)  }
0x5d: {  	v16 =	vld [tilespmem:s8+$0x0];
	(xrf2) =	vadd.scan.msk.f32 $0xffff, v17  }
0x5e: {  	v12 =	vld [tilespmem:s8+$0x20];
	v18 =	vpop (erf)  }
0x5f: {  	v20 =	vld [tilespmem:s6+$0xFFFFFFD2];
	v11 =	vmul.f32 v18, v11  }
0x60: {  	v2 =	vld [tilespmem:s6+$0xFFFFFFD1]  }
0x61: {  	v19 =	vld [tilespmem:s6+$0xFFFFFFE0];
	vm0 =	veq.s32 v6, v5;
	(erf) = vrcp.f32 v1;
	(xrf2) =	vadd.scan.msk.f32 $0xffff, v18  }
0x62: {  	v5 =	vld [tilespmem:s6+$0xFFFFFFE1];
	v21 =	vsel vm0, $0x80000000, v3;
	v26 =	vadd.f32 v11, v14  }
0x63: {  	v22 =	vld [tilespmem:s6+$0xFFFFFFD0];
	(xrf0) =	vmax.scan.msk.u32 $0xffff, v21;
	v9 =	vmul.f32 v13, v9;
	(erf) = vrcp.f32 v12;
	v11, _, _ =	vpop (xrf0)  }
0x64: {  	v23 =	vld [tilespmem:s6+$0xFFFFFFF0];
	(erf) = vrcp.f32 v16;
	(xrf2) =	vadd.scan.msk.f32 $0xffff, v26;
	v12 =	vadd.s32 $0x80000010, v11  }
0x65: {  	p1 =	sgt.u32 s3, $0xB;
	s3 =	simm.s32 $0x10;
	v27 =	vld [tilespmem:s6+$0xFFFFFFF2];
	vm3 =	vne.s32 v6, v10;
	vm4 =	vne.s32 v2, v20;
	v16 =	vadd.f32 v9, v7  }
0x66: {  	s3 =	simm.s32 @!p1 $0x8;
	v21 =	vld [tilespmem:s7+$0xFFFFFFF0];
	v24 =	vmul.f32 v17, v4;
	v4 =	vxor.u32 $0x80000000, v11;
	vm1 =	vlt.s32 v11, $0x0;
	v11, _, _ =	vpop (xrf2)  }
0x67: {  	v1 =	vmov s3;
	s3 =	simm.s32 $0x6230;
	vm2 =	veq.s32 v5, v19;
	v7 =	vld [tilespmem:s6+$0xFFFFFFF1];
	v4 =	vsel vm1, v4, v12;
	v12, _, _ =	vpop (xrf2);
	(xrf2) =	vadd.scan.msk.f32 $0xffff, v16  }
0x68: {  	v20 =	vld [tilespmem:s7+$0x20];
	vm0 =	vcmask $0x3F3C;
	[tilespmem:s3+$0xFFFFFFE0] =	vst v17;
	v25 =	vsel vm2, $0x80000000, v3;
	v19 =	vadd.f32 v24, v8  }
0x69: {  	[tilespmem:s3+$0xFFFFFFD0] =	vst v13;
	vm2 =	vne.s32 v5, v15;
	v15 =	vld [tilespmem:s4+$0x20];
	v10, _, _ =	vpop (xrf0);
	(xrf0) =	vmax.scan.msk.u32 $0xffff, v25;
	vm1 =	veq.s32 v2, v22  }
0x6a: {  	v9 =	vld [tilespmem:s4+$0xFFFFFFF0];
	v25 =	vxor.u32 $0x80000000, v10;
	v14 =	vsub.f32 v11, v13;
	v13 =	vsub.f32 v12, v17;
	v17 =	vpop (erf);
	(xrf2) =	vadd.scan.msk.f32 $0xffff, v19  }
0x6b: {  	v22 =	vld [tilespmem:s7+$0x0];
	vm5 =	vlt.s32 v10, $0x0;
	v28 =	vsel vm1, $0x80000000, v3;
	v31 =	vmul.f32 v17, v21;
	v21, _, _ =	vpop (xrf2)  }
0x6c: {  	v24 =	vld [tilespmem:s6+$0x2];
	v29 =	vadd.s32 $0x80000010, v10;
	vm6 =	veq.s32 v7, v23;
	(xrf0) =	vmax.scan.msk.u32 $0xffff, v28;
	v10 =	vpop (erf);
	v32 =	vsub.f32 v21, v18  }
0x6d: {  	s1 =	sadd.s32 s1, s5;
	vm1 =	vmor vm3, vm0;
	vm3 =	vne.s32 v7, v27;
	v23 =	vld [tilespmem:s4+$0x0];
	v29 =	vsel vm5, v25, v29;
	v8 =	vpop (erf)  }
0x6e: {  	s5 =	simm.s32 $0x9300;
	s9 =	simm.s32 $0x3190;
	s10 =	simm.s32 $0x6290;
	[tilespmem:s3+$0x10] =	vst v18;
	v27 =	vld [tilespmem:s6+$0x0];
	v30 =	vsel vm6, $0x80000000, v3;
	v28, _, _ =	vpop (xrf2);
	v25 =	vperm.xlane v32, v29;
	v32 =	vmul.f32 v10, v20  }
0x6f: {  	s11 =	simm.s32 $0x1910;
	s8 =	simm.s32 $0x0;
	s7 =	simm.s32 $0x37;
	[tilespmem:s3+$0xFFFFFFF0] =	vst v17;
	v18 =	vadd.f32 v31, v9;
	v9 =	vld [tilespmem:s6+$0x1];
	(xrf2) =	vadd.scan.msk.f32 $0xffff, v17;
	v31 =	vsub.f32 v28, v26;
	v26, _, _ =	vpop (xrf0)  }
.LBB2_5:
0x70: {  	v20 =	vld [tilespmem:s11+$0xFFFFFFE0];
	s8 =	sadd.s32 $0x60, s8;
	v33 =	vmul.f32 v8, v22;
	v32 =	vadd.f32 v32, v15;
	s6 =	sadd.s32 $0x60, s6;
	s4 =	sadd.s32 $0x60, s4;
	(xrf0) =	vmax.scan.msk.u32 $0xffff, v30  }
0x71: {  	v15 =	vld [tilespmem:s4+$0xFFFFFFE0];
	p1 =	slt.u32 s8, $0x1800;
	v29 =	vperm.xlane v31, v29;
	v30, _, _ =	vpop (xrf2)  }
0x72: {  	v22 =	vld [tilespmem:s4+$0xFFFFFFD0];
	v16 =	vsub.f32 v30, v16;
	v31 =	vadd.f32 v33, v23;
	v23, _, _ =	vpop (xrf0);
	(xrf2) =	vadd.scan.msk.f32 $0xffff, v18  }
0x73: {  	v33 =	vld [tilespmem:s11+$0xFFFFFFD0];
	v34 =	vadd.s32 $0x80000010, v23;
	v28 =	vsub.f32 v28, v29;
	v29 =	vadd.s32 $0x1000, v6  }
0x74: {  	v35 =	vxor.u32 $0x80000000, v23;
	vm6 =	vlt.s32 v23, $0x0;
	vm7 =	veq.s32 v9, v27;
	v27 =	vld [tilespmem:s7+$0x22];
	v36, _, _ =	vpop (xrf2);
	s7 =	smov.u32 s6  }
0x75: {  	vm5 =	vmor vm4, vm0;
	v34 =	vsel vm6, v35, v34;
	v23 =	vld [tilespmem:s6+$0x12];
	v19 =	vsub.f32 v36, v19;
	(xrf2) =	vadd.scan.msk.f32 $0xffff, v8  }
0x76: {  	vm4 =	vne.s32 v9, v24;
	v16 =	vperm.xlane v16, v34;
	v24 =	vsel vm7, $0x80000000, v3;
	v35 =	vld [tilespmem:s6+$0x10];
	[tilespmem:s3+$0x20] =	vst v10;
	v37, _, _ =	vpop (xrf0)  }
0x77: {  	v38 =	vadd.s32 $0x80000010, v37;
	vm7 =	vlt.s32 v37, $0x0;
	[tilespmem:v6+s5+$0x0] =	vst.idx.add.f32.msk vm1, v28;
	(xrf0) =	vmax.scan.msk.u32 $0xffff, v24  }
0x78: {  	vm8 =	vlt.s32 v26, $0x0;
	v6 =	vsub.f32 v30, v16;
	v16 =	vsub.f32 v21, v25;
	v24 =	vld [tilespmem:s11+$0x10];
	(xrf2) =	vadd.scan.msk.f32 $0xffff, v32  }
0x79: {  	v25 =	vxor.u32 $0x80000000, v26;
	v26 =	vadd.s32 $0x80000010, v26;
	v28 =	vxor.u32 $0x80000000, v37;
	v21 =	vld [tilespmem:s6+$0x21];
	v30, _, _ =	vpop (xrf2)  }
0x7a: {  	vm6 =	vmor vm2, vm0;
	v14 =	vperm.xlane v14, v34;
	v34 =	vadd.s32 $0x1000, v2;
	v37 =	vld [tilespmem:s6+$0x20]  }
0x7b: {  	vm2 =	vmor vm3, vm0;
	v25 =	vsel vm8, v25, v26;
	v42 =	vsub.f32 v30, v17;
	v39 =	vld [tilespmem:s9+$0xFFFFFFD0];
	(xrf2) =	vadd.scan.msk.f32 $0xffff, v31  }
0x7c: {  	v40 =	vadd.s32 $0x1000, v5;
	v28 =	vsel vm7, v28, v38;
	v19 =	vperm.xlane v19, v25;
	v26 =	vld [tilespmem:s9+$0xFFFFFFE0];
	v38, _, _ =	vpop (xrf2)  }
0x7d: {  	v11 =	vsub.f32 v11, v14;
	v43 =	vperm.xlane v13, v25;
	v14 =	vperm.xlane v42, v28;
	v41 =	vld [tilespmem:s9+$0x10];
	v17, _, _ =	vpop (xrf0)  }
0x7e: {  	[tilespmem:v2+s5+$0x0] =	vst.idx.add.f32.msk vm5, v6;
	v6 =	vxor.u32 $0x80000000, v17;
	v25 =	vadd.s32 $0x80000010, v17;
	(xrf2) =	vadd.scan.msk.f32 $0xffff, v10  }
0x7f: {  	vm3 =	vlt.s32 v17, $0x0;
	[tilespmem:v34+s5+$0x0] =	vst.idx.add.f32.msk vm5, v11;
	v11 =	vsub.f32 v12, v43;
	v12 =	vsub.f32 v38, v18;
	v13, _, _ =	vpop (xrf2)  }
0x80: {  	v17 =	vsub.f32 v36, v19;
	v18 =	vadd.s32 $0x1000, v7;
	v2 =	vld [tilespmem:s6+$0xFFFFFFD1];
	(erf) = vrcp.f32 v39  }
0x81: {  	vm5 =	veq.s32 v21, v37;
	v34 =	vld [tilespmem:s6+$0xFFFFFFE2];
	(erf) = vrcp.f32 v26;
	v12 =	vperm.xlane v12, v28  }
0x82: {  	v25 =	vsel vm3, v6, v25;
	v19 =	vsel vm5, $0x80000000, v3;
	(erf) = vrcp.f32 v41;
	[tilespmem:v29+s5+$0x0] =	vst.idx.add.f32.msk vm1, v16;
	v26, _, _ =	vpop (xrf2)  }
0x83: {  	v6 =	vsub.f32 v30, v14;
	[tilespmem:v5+s5+$0x0] =	vst.idx.add.f32.msk vm6, v17;
	v5 =	vsub.f32 v38, v12  }
0x84: {  	vm1 =	vne.s32 v0, v27;
	[tilespmem:v40+s5+$0x0] =	vst.idx.add.f32.msk vm6, v11;
	v11 =	vsub.f32 v13, v8  }
0x85: {  	[tilespmem:v7+s5+$0x0] =	vst.idx.add.f32.msk vm2, v5;
	v7, _, _ =	vpop (xrf2)  }
0x86: {  	(xrf0) =	vmax.scan.msk.u32 $0xffff, v19;
	[tilespmem:v18+s5+$0x0] =	vst.idx.add.f32.msk vm2, v6;
	v5 =	vperm.xlane v11, v25  }
0x87: {  	v11 =	vld [tilespmem:s4+$0x10]  }
0x88: {  	v6 =	vld [tilespmem:s6+$0x11];
	v12 =	vsub.f32 v13, v5;
	v5 =	vsub.f32 v26, v32;
	v13 =	vadd.s32 $0x1000, v0;
	v14, _, _ =	vpop (xrf2)  }
0x89: {  	v19 =	vsub.f32 v7, v31;
	vm2 =	vmor vm1, vm0;
	v17 =	vld [tilespmem:s6+$0xFFFFFFE0];
	v18 =	vpop (erf);
	v10 =	vsub.f32 v14, v10  }
0x8a: {  	vm3 =	vmor vm4, vm0;
	v16 =	vmul.f32 v18, v33;
	v27 =	vld [tilespmem:s9+$0xFFFFFFF0];
	(xrf2) =	vadd.scan.msk.f32 $0xffff, v18;
	v28 =	vpop (erf);
	v5 =	vperm.xlane v5, v4  }
0x8b: {  	v31 =	vadd.s32 $0x1000, v9;
	v29 =	vld [tilespmem:s6+$0xFFFFFFD2];
	v20 =	vmul.f32 v28, v20;
	v30 =	vpop (erf);
	v4 =	vperm.xlane v10, v4  }
0x8c: {  	v19 =	vperm.xlane v19, v25;
	v16 =	vadd.f32 v16, v22;
	v10 =	vmul.f32 v30, v24;
	[tilespmem:s10+$0x10] =	vst v30;
	v22 =	vld [tilespmem:s9+$0x20];
	v24, _, _ =	vpop (xrf0)  }
0x8d: {  	v25 =	vld [tilespmem:s9+$0x0];
	vm4 =	veq.s32 v6, v35;
	vm1 =	vne.s32 v6, v23;
	(xrf2) =	vadd.scan.msk.f32 $0xffff, v28;
	v23 =	vsub.f32 v26, v5  }
0x8e: {  	v7 =	vsub.f32 v7, v19;
	v5 =	vld [tilespmem:s6+$0xFFFFFFE1];
	v26 =	vadd.f32 v10, v11;
	v10 =	vsel vm4, $0x80000000, v3;
	[tilespmem:s3+$0x0] =	vst v8;
	s3 =	smov.u32 s10  }
0x8f: {  	v14 =	vsub.f32 v14, v4;
	v8 =	vxor.u32 $0x80000000, v24;
	v11 =	vadd.s32 $0x80000010, v24;
	[tilespmem:v0+s5+$0x0] =	vst.idx.add.f32.msk vm2, v23;
	v0 =	vmovc v21  }
0x90: {  	vm4 =	vlt.s32 v24, $0x0;
	(erf) = vrcp.f32 v27;
	(xrf0) =	vmax.scan.msk.u32 $0xffff, v10;
	[tilespmem:v9+s5+$0x0] =	vst.idx.add.f32.msk vm3, v7  }
0x91: {  	v4 =	vsel vm4, v8, v11;
	(xrf2) =	vadd.scan.msk.f32 $0xffff, v30;
	[tilespmem:v13+s5+$0x0] =	vst.idx.add.f32.msk vm2, v14  }
0x92: {  	[tilespmem:v31+s5+$0x0] =	vst.idx.add.f32.msk vm3, v12  }
0x93: {  	[tilespmem:s10+$0xFFFFFFE0] =	vst v28;
	v8 =	vld [tilespmem:s11+$0xFFFFFFF0];
	(erf) = vrcp.f32 v22  }
0x94: {  	v9 =	vld [tilespmem:s6+$0xFFFFFFD0];
	v11, _, _ =	vpop (xrf2);
	(erf) = vrcp.f32 v25;
	(xrf2) =	vadd.scan.msk.f32 $0xffff, v26  }
0x95: {  	[tilespmem:s10+$0xFFFFFFD0] =	vst v18;
	v14 =	vsub.f32 v11, v18;
	v10 =	vld [tilespmem:s6+$0xFFFFFFF0]  }
0x96: {  	vm2 =	veq.s32 v5, v17;
	v18 =	vld [tilespmem:s4+$0xFFFFFFF0];
	v21, _, _ =	vpop (xrf0)  }
0x97: {  	v22 =	vsel vm2, $0x80000000, v3;
	v7 =	vld [tilespmem:s6+$0xFFFFFFF1];
	(xrf2) =	vadd.scan.msk.f32 $0xffff, v16;
	v12, _, _ =	vpop (xrf2)  }
0x98: {  	v19 =	vadd.f32 v20, v15;
	vm4 =	vne.s32 v2, v29;
	v13 =	vsub.f32 v12, v28;
	v20 =	vld [tilespmem:s6+$0xFFFFFFF2]  }
0x99: {  	vm2 =	vne.s32 v5, v34;
	vm3 =	veq.s32 v2, v9;
	v9 =	vxor.u32 $0x80000000, v21;
	v28 =	vld [tilespmem:s11+$0x20];
	(xrf0) =	vmax.scan.msk.u32 $0xffff, v22;
	v17 =	vpop (erf)  }
0x9a: {  	vm5 =	vlt.s32 v21, $0x0;
	v23 =	vsel vm3, $0x80000000, v3;
	v25 =	vmul.f32 v17, v8;
	v15 =	vld [tilespmem:s4+$0x20];
	(xrf2) =	vadd.scan.msk.f32 $0xffff, v19  }
.Ltmp2:
0x9b: {  	v27 =	vadd.s32 $0x80000010, v21;
	[tilespmem:s10+$0xFFFFFFF0] =	vst v17;
	v22 =	vld [tilespmem:s11+$0x0];
	v21, _, _ =	vpop (xrf2);
	(pc) =	sbr.rel @p1 .LBB2_5-.Ltmp2, $4  }
0x9c: {  	vm1 =	vmor vm1, vm0;
	vm6 =	veq.s32 v7, v10;
	v24 =	vld [tilespmem:s6+$0x2];
	v31 =	vsub.f32 v21, v30;
	(xrf0) =	vmax.scan.msk.u32 $0xffff, v23;
	v10 =	vpop (erf)  }
0x9d: {  	v29 =	vsel vm5, v9, v27;
	vm3 =	vne.s32 v7, v20;
	v30 =	vsel vm6, $0x80000000, v3;
	v23 =	vld [tilespmem:s4+$0x0];
	v8 =	vpop (erf)  }
0x9e: {  	v18 =	vadd.f32 v25, v18;
	v27 =	vld [tilespmem:s6+$0x0];
	v25 =	vperm.xlane v31, v29;
	v32 =	vmul.f32 v10, v28;
	v28, _, _ =	vpop (xrf2)  }
0x9f: {  	s9 =	sadd.s32 $0x60, s9;
	s10 =	sadd.s32 $0x60, s10;
	s11 =	sadd.s32 $0x60, s11;
	v9 =	vld [tilespmem:s6+$0x1];
	v31 =	vsub.f32 v28, v26;
	v26, _, _ =	vpop (xrf0);
	(xrf2) =	vadd.scan.msk.f32 $0xffff, v17  }
0xa0: {  	v22 =	vmul.f32 v8, v22  }
0xa1: {  	(xrf0) =	vmax.scan.msk.u32 $0xffff, v30;
	v15 =	vadd.f32 v32, v15;
	v38 =	vadd.s32 $0x1000, v6;
	vm14 =	vmor vm4, vm0  }
0xa2: {  	vm8 =	vlt.s32 v26, $0x0;
	v42 =	vsub.f32 v21, v25;
	v43 =	vxor.u32 $0x80000000, v26;
	v20, _, _ =	vpop (xrf2);
	(xrf2) =	vadd.scan.msk.f32 $0xffff, v18  }
0xa3: {  	v44 =	vadd.s32 $0x80000010, v26;
	v46 =	vadd.s32 $0x1000, v2;
	v22 =	vadd.f32 v22, v23;
	(xrf2) =	vadd.scan.msk.f32 $0xffff, v8  }
0xa4: {  	vm9 =	vmor vm2, vm0;
	vm10 =	vmor vm3, vm0;
	vm6 =	veq.s32 v9, v27;
	v39, _, _ =	vpop (xrf2);
	(xrf2) =	vadd.scan.msk.f32 $0xffff, v15  }
0xa5: {  	v47 =	vld [tilespmem:s7+$0x22];
	v49 =	vadd.s32 $0x1000, v5;
	v21 =	vsel vm8, v43, v44;
	v3 =	vsel vm6, $0x80000000, v3;
	(xrf2) =	vadd.scan.msk.f32 $0xffff, v22  }
0xa6: {  	v29 =	vperm.xlane v31, v29;
	v34, _, _ =	vpop (xrf0);
	v16 =	vsub.f32 v20, v16;
	v13 =	vperm.xlane v13, v21;
	(xrf0) =	vmax.scan.msk.u32 $0xffff, v3  }
0xa7: {  	v35 =	vadd.s32 $0x80000010, v34;
	vm5 =	vlt.s32 v34, $0x0;
	v30 =	vxor.u32 $0x80000000, v34;
	(xrf2) =	vadd.scan.msk.f32 $0xffff, v10  }
0xa8: {  	v37 =	vsub.f32 v28, v29;
	v36 =	vsel vm5, v30, v35;
	vm15 =	vne.s32 v9, v24  }
0xa9: {  	v12 =	vsub.f32 v12, v13;
	v16 =	vperm.xlane v16, v36;
	v14 =	vperm.xlane v14, v36;
	v40, _, _ =	vpop (xrf0)  }
0xaa: {  	vm12 =	vne.s32 v0, v47;
	v3 =	vsub.f32 v39, v19;
	v41 =	vadd.s32 $0x80000010, v40  }
0xab: {  	[tilespmem:v6+s5+$0x0] =	vst.idx.add.f32.msk vm1, v37;
	vm7 =	vlt.s32 v40, $0x0;
	v16 =	vsub.f32 v20, v16;
	v19 =	vxor.u32 $0x80000000, v40;
	v45, _, _ =	vpop (xrf2)  }
0xac: {  	v11 =	vsub.f32 v11, v14;
	v3 =	vperm.xlane v3, v21;
	v19 =	vsel vm7, v19, v41;
	v48, _, _ =	vpop (xrf2)  }
0xad: {  	vm13 =	vmor vm12, vm0;
	[tilespmem:v2+s5+$0x0] =	vst.idx.add.f32.msk vm14, v16;
	v17 =	vsub.f32 v45, v17;
	v51, _, _ =	vpop (xrf0);
	v52 =	vsub.f32 v48, v18  }
0xae: {  	v3 =	vsub.f32 v39, v3;
	[tilespmem:v46+s5+$0x0] =	vst.idx.add.f32.msk vm14, v11;
	v11 =	vadd.s32 $0x1000, v7;
	vm14 =	vmor vm15, vm0;
	v2, _, _ =	vpop (xrf2)  }
0xaf: {  	[tilespmem:v38+s5+$0x0] =	vst.idx.add.f32.msk vm1, v42;
	v50 =	vperm.xlane v17, v19;
	v6 =	vxor.u32 $0x80000000, v51;
	v54 =	vperm.xlane v52, v19;
	v55, _, _ =	vpop (xrf2)  }
0xb0: {  	[tilespmem:v5+s5+$0x0] =	vst.idx.add.f32.msk vm9, v3;
	v53 =	vadd.s32 $0x80000010, v51;
	vm11 =	vlt.s32 v51, $0x0;
	v56, _, _ =	vpop (xrf2);
	v15 =	vsub.f32 v55, v15  }
0xb1: {  	[tilespmem:s3+$0x20] =	vst v10;
	v6 =	vsel vm11, v6, v53;
	v13 =	vsub.f32 v48, v54;
	v5, _, _ =	vpop (xrf2);
	v57 =	vsub.f32 v56, v22  }
0xb2: {  	[tilespmem:s3+$0x0] =	vst v8;
	v3 =	vsub.f32 v45, v50;
	v10 =	vsub.f32 v5, v10;
	v58 =	vperm.xlane v15, v4  }
0xb3: {  	v59 =	vsub.f32 v2, v8;
	[tilespmem:v7+s5+$0x0] =	vst.idx.add.f32.msk vm10, v13;
	v7 =	vadd.s32 $0x1000, v0;
	v60 =	vperm.xlane v57, v6  }
0xb4: {  	[tilespmem:v11+s5+$0x0] =	vst.idx.add.f32.msk vm10, v3;
	v3 =	vadd.s32 $0x1000, v9;
	v4 =	vperm.xlane v10, v4;
	v10 =	vsub.f32 v55, v58  }
0xb5: {  	[tilespmem:v49+s5+$0x0] =	vst.idx.add.f32.msk vm9, v12;
	v6 =	vperm.xlane v59, v6;
	v8 =	vsub.f32 v56, v60  }
0xb6: {  	v4 =	vsub.f32 v5, v4;
	[tilespmem:v0+s5+$0x0] =	vst.idx.add.f32.msk vm13, v10  }
0xb7: {  	v0 =	vsub.f32 v2, v6;
	[tilespmem:v9+s5+$0x0] =	vst.idx.add.f32.msk vm14, v8  }
0xb8: {  	[tilespmem:v7+s5+$0x0] =	vst.idx.add.f32.msk vm13, v4  }
0xb9: {  	[tilespmem:v3+s5+$0x0] =	vst.idx.add.f32.msk vm14, v0  }
0xba: {  	v0 =	vld [tilespmem:$0x4960];
	_ =	sdelay $0x4  }
0xbb: {  	(erf) = vrcp.f32 v0;
	_ =	sdelay $0x3  }
0xbc: {  	v2 =	vld [tilespmem:$0x30E0]  }
0xbd: {  	v0 =	vld [tilespmem:$0x1868];
	_ =	sdelay $0x1  }
0xbe: {  	v3 =	vlaneseq.u32;
	v4 =	vld [tilespmem:$0x61E0]  }
0xbf: {  	vm15 =	vgt.u32 v1, v3  }
0xc0: {  	v1 =	vpop (erf)  }
0xc1: {  	v3 =	vadd.s32 $0x1000, v0;
	v2 =	vmul.f32 v1, v2;
	_ =	sdelay $0x1  }
0xc2: {  	v2 =	vadd.f32 v2, v4  }
0xc3: {  	s29 =	simm.s32 $0x9300;
	[tilespmem:$0x7A60] =	vst v1  }
0xc4: {  	[tilespmem:v0+s29+$0x0] =	vst.idx.add.f32.msk vm15, v2  }
0xc5: {  	s4 =	simm.s32 $0x40;
	s30 =	simm.s32 $0xB300;
	s31 =	simm.s32 $0x2;
	[tilespmem:v3+s29+$0x0] =	vst.idx.add.f32.msk vm15, v1  }
0xc6: {  	[spmem:s2] =	stream.indirect.scatter.add.f32 [tilespmem:s29], [sflag:$0x2], $0x80, s30, s4, $0xb8;
	[tilespmem:$0xC580] =	vst v63  }
0xc7: {  	_ =	swait.ge [sflag:s31], $0x2000  }
0xc8: {  	[sflag:s31] =	ssyncset.done $0x0  }
0xc9: {  	[sflag:s31] =	ssyncadd.s32 $0xFFFFE000  }
0xca: {  	[bflag:$0x0] =	sbarrier.arrive $0xFFFF  }
0xcb: {  	[tilespmem:s29], [sflag:$0x2] =	stream.linear.gather [spmem:s2], $0x2000, $0x38;
	[tilespmem:$0xC580] =	vst v63  }
0xcc: {  	_ =	swait.ge [sflag:s31], $0x2000  }
0xcd: {  	[sflag:s31] =	ssyncset.done $0x0  }
0xce: {  	s11 =	simm.s32 $0xA300;
	[sflag:s31] =	ssyncadd.s32 $0xFFFFE000  }
0xcf: {  	v0 =	vld [tilespmem:s11+$0x80];
	_ =	sdelay $0x4  }
0xd0: {  	v1 =	vld [tilespmem:s11+$0x0];
	(erf) = vrcp.f32 v0;
	_ =	sdelay $0x4  }
0xd1: {  	v0 =	vld [tilespmem:s11+$0xFFFFF080];
	(erf) = vrcp.f32 v1;
	_ =	sdelay $0x3  }
0xd2: {  	v2 =	vpop (erf)  }
0xd3: {  	v1 =	vld [tilespmem:s11+$0xFFFFF000];
	v0 =	vmul.f32 v2, v0  }
0xd4: {  	s2 =	simm.s32 $0xB400  }
0xd5: {  	[tilespmem:s2+$0x0] =	vst v0  }
0xd6: {  	v2 =	vld [tilespmem:s11+$0x90]  }
0xd7: {  	v0 =	vpop (erf)  }
0xd8: {  	v0 =	vmul.f32 v0, v1;
	_ =	sdelay $0x1  }
0xd9: {  	[tilespmem:s2+$0xFFFFFF80] =	vst v0  }
0xda: {  	v0 =	vld [tilespmem:s11+$0x10];
	(erf) = vrcp.f32 v2;
	_ =	sdelay $0x4  }
0xdb: {  	(erf) = vrcp.f32 v0;
	v0 =	vld [tilespmem:s11+$0xFFFFF090];
	_ =	sdelay $0x3  }
0xdc: {  	s3 =	simm.s32 $0xA400;
	v1 =	vld [tilespmem:s11+$0xFFFFF010];
	v3 =	vpop (erf)  }
0xdd: {  	v2 =	vld [tilespmem:s3+$0x80];
	v0 =	vmul.f32 v3, v0  }
0xde: {  	v3 =	vld [tilespmem:s3+$0x0]  }
0xdf: {  	[tilespmem:s2+$0x10] =	vst v0  }
0xe0: {  	v4 =	vld [tilespmem:s11+$0xA0]  }
0xe1: {  	v0 =	vpop (erf)  }
0xe2: {  	(erf) = vrcp.f32 v2;
	v0 =	vmul.f32 v0, v1  }
0xe3: {  	(erf) = vrcp.f32 v3  }
0xe4: {  	[tilespmem:s2+$0xFFFFFF90] =	vst v0  }
0xe5: {  	v0 =	vld [tilespmem:s11+$0x20];
	(erf) = vrcp.f32 v4;
	_ =	sdelay $0x1  }
0xe6: {  	v1 =	vld [tilespmem:s3+$0xFFFFF080]  }
0xe7: {  	v2 =	vld [tilespmem:s3+$0xFFFFF000];
	_ =	sdelay $0x1  }
0xe8: {  	v3 =	vld [tilespmem:s11+$0xFFFFF0A0];
	(erf) = vrcp.f32 v0  }
0xe9: {  	v0 =	vpop (erf)  }
0xea: {  	v0 =	vmul.f32 v0, v1;
	v1 =	vpop (erf)  }
0xeb: {  	s4 =	simm.s32 $0xB500;
	v1 =	vmul.f32 v1, v2  }
0xec: {  	v4 =	vld [tilespmem:s11+$0xFFFFF020];
	[tilespmem:s4+$0x0] =	vst v0;
	v2 =	vpop (erf)  }
0xed: {  	v0 =	vld [tilespmem:s3+$0x90];
	[tilespmem:s4+$0xFFFFFF80] =	vst v1;
	v1 =	vmul.f32 v2, v3;
	_ =	sdelay $0x1  }
0xee: {  	v2 =	vld [tilespmem:s3+$0x10];
	[tilespmem:s2+$0x20] =	vst v1  }
0xef: {  	v3 =	vld [tilespmem:s11+$0xB0]  }
0xf0: {  	v1 =	vpop (erf)  }
0xf1: {  	(erf) = vrcp.f32 v0;
	v1 =	vmul.f32 v1, v4;
	_ =	sdelay $0x1  }
0xf2: {  	(erf) = vrcp.f32 v2;
	[tilespmem:s2+$0xFFFFFFA0] =	vst v1  }
0xf3: {  	v0 =	vld [tilespmem:s11+$0x30];
	(erf) = vrcp.f32 v3;
	_ =	sdelay $0x1  }
0xf4: {  	v1 =	vld [tilespmem:s3+$0xFFFFF090]  }
0xf5: {  	v2 =	vld [tilespmem:s3+$0xFFFFF010]  }
0xf6: {  	s5 =	simm.s32 $0xA500;
	v4 =	vld [tilespmem:s11+$0xFFFFF0B0]  }
0xf7: {  	(erf) = vrcp.f32 v0;
	v0 =	vld [tilespmem:s5+$0x80]  }
0xf8: {  	v3 =	vpop (erf)  }
0xf9: {  	v1 =	vmul.f32 v3, v1  }
0xfa: {  	v6 =	vld [tilespmem:s11+$0xFFFFF030];
	v5 =	vpop (erf)  }
0xfb: {  	v3 =	vld [tilespmem:s5+$0x0];
	v2 =	vmul.f32 v5, v2;
	[tilespmem:s4+$0x10] =	vst v1;
	v5 =	vpop (erf)  }
0xfc: {  	v1 =	vld [tilespmem:s3+$0xA0];
	(erf) = vrcp.f32 v0;
	v0 =	vmul.f32 v5, v4;
	_ =	sdelay $0x1  }
0xfd: {  	[tilespmem:s4+$0xFFFFFF90] =	vst v2  }
0xfe: {  	v2 =	vld [tilespmem:s3+$0x20];
	[tilespmem:s2+$0x30] =	vst v0  }
0xff: {  	(erf) = vrcp.f32 v3;
	v3 =	vld [tilespmem:s11+$0xC0];
	v0 =	vpop (erf)  }
0x100: {  	(erf) = vrcp.f32 v1;
	v1 =	vld [tilespmem:s5+$0xFFFFF080];
	v0 =	vmul.f32 v0, v6;
	_ =	sdelay $0x1  }
0x101: {  	[tilespmem:s2+$0xFFFFFFB0] =	vst v0  }
0x102: {  	(erf) = vrcp.f32 v2;
	v0 =	vld [tilespmem:s11+$0x40]  }
0x103: {  	v4 =	vld [tilespmem:s5+$0xFFFFF000];
	(erf) = vrcp.f32 v3;
	v2 =	vpop (erf)  }
0x104: {  	v1 =	vmul.f32 v2, v1  }
0x105: {  	s6 =	simm.s32 $0xB600;
	v3 =	vld [tilespmem:s3+$0xFFFFF0A0]  }
0x106: {  	v2 =	vld [tilespmem:s3+$0xFFFFF020];
	[tilespmem:s6+$0x0] =	vst v1  }
0x107: {  	v5 =	vpop (erf);
	(erf) = vrcp.f32 v0;
	v0 =	vld [tilespmem:s5+$0x90]  }
0x108: {  	v1 =	vmul.f32 v5, v4;
	v5 =	vld [tilespmem:s11+$0xFFFFF0C0]  }
0x109: {  	v4 =	vpop (erf)  }
0x10a: {  	[tilespmem:s6+$0xFFFFFF80] =	vst v1;
	v1 =	vmul.f32 v4, v3  }
0x10b: {  	v6 =	vld [tilespmem:s11+$0xFFFFF040];
	v4 =	vpop (erf)  }
0x10c: {  	v3 =	vld [tilespmem:s5+$0x10];
	[tilespmem:s4+$0x20] =	vst v1;
	(erf) = vrcp.f32 v0;
	v0 =	vpop (erf)  }
0x10d: {  	v2 =	vmul.f32 v4, v2;
	v1 =	vld [tilespmem:s3+$0xB0];
	v0 =	vmul.f32 v0, v5;
	_ =	sdelay $0x1  }
0x10e: {  	[tilespmem:s4+$0xFFFFFFA0] =	vst v2  }
0x10f: {  	v2 =	vld [tilespmem:s3+$0x30];
	[tilespmem:s2+$0x40] =	vst v0  }
0x110: {  	(erf) = vrcp.f32 v3;
	v3 =	vld [tilespmem:s11+$0xD0];
	v0 =	vpop (erf)  }
0x111: {  	(erf) = vrcp.f32 v1;
	v1 =	vld [tilespmem:s5+$0xFFFFF090];
	v0 =	vmul.f32 v0, v6;
	_ =	sdelay $0x1  }
0x112: {  	v4 =	vld [tilespmem:s5+$0xFFFFF010];
	[tilespmem:s2+$0xFFFFFFC0] =	vst v0  }
0x113: {  	s7 =	simm.s32 $0xA600;
	(erf) = vrcp.f32 v2;
	v0 =	vld [tilespmem:s11+$0x50]  }
0x114: {  	v2 =	vld [tilespmem:s7+$0x80];
	v5 =	vpop (erf);
	(erf) = vrcp.f32 v3  }
0x115: {  	v1 =	vmul.f32 v5, v1  }
0x116: {  	v3 =	vld [tilespmem:s3+$0xFFFFF0B0]  }
0x117: {  	v5 =	vld [tilespmem:s7+$0x0];
	[tilespmem:s6+$0x10] =	vst v1  }
0x118: {  	v7 =	vpop (erf);
	v1 =	vld [tilespmem:s5+$0xA0];
	(erf) = vrcp.f32 v0  }
0x119: {  	v0 =	vmul.f32 v7, v4;
	v4 =	vpop (erf);
	(erf) = vrcp.f32 v2;
	v2 =	vld [tilespmem:s11+$0xFFFFF0D0]  }
0x11a: {  	v6 =	vld [tilespmem:s3+$0xFFFFF030];
	_ =	sdelay $0x1  }
0x11b: {  	[tilespmem:s6+$0xFFFFFF90] =	vst v0;
	v0 =	vmul.f32 v4, v3;
	(erf) = vrcp.f32 v5;
	v4 =	vpop (erf)  }
0x11c: {  	(erf) = vrcp.f32 v1;
	v1 =	vpop (erf)  }
0x11d: {  	v5 =	vld [tilespmem:s11+$0xFFFFF050];
	v1 =	vmul.f32 v1, v2  }
0x11e: {  	v3 =	vld [tilespmem:s5+$0x20];
	v4 =	vmul.f32 v4, v6  }
0x11f: {  	v6 =	vld [tilespmem:s7+$0xFFFFF000];
	[tilespmem:s4+$0x30] =	vst v0  }
0x120: {  	[tilespmem:s4+$0xFFFFFFB0] =	vst v4;
	v4 =	vld [tilespmem:s7+$0xFFFFF080]  }
0x121: {  	v0 =	vld [tilespmem:s3+$0xC0];
	[tilespmem:s2+$0x50] =	vst v1;
	v1 =	vpop (erf)  }
0x122: {  	v2 =	vld [tilespmem:s3+$0x40];
	v1 =	vmul.f32 v1, v5  }
0x123: {  	(erf) = vrcp.f32 v3;
	v3 =	vld [tilespmem:s11+$0xE0]  }
0x124: {  	v7 =	vld [tilespmem:s5+$0xFFFFF0A0];
	v5 =	vpop (erf)  }
0x125: {  	v4 =	vmul.f32 v5, v4  }
0x126: {  	s8 =	simm.s32 $0xB700;
	(erf) = vrcp.f32 v0;
	v0 =	vld [tilespmem:s5+$0xFFFFF020];
	[tilespmem:s2+$0xFFFFFFD0] =	vst v1;
	v1 =	vpop (erf)  }
0x127: {  	(erf) = vrcp.f32 v2;
	v2 =	vld [tilespmem:s11+$0x60];
	[tilespmem:s8+$0x0] =	vst v4;
	v1 =	vmul.f32 v1, v6  }
0x128: {  	v4 =	vld [tilespmem:s7+$0x90];
	v6 =	vpop (erf);
	(erf) = vrcp.f32 v3  }
0x129: {  	v5 =	vld [tilespmem:s3+$0xFFFFF040];
	[tilespmem:s8+$0xFFFFFF80] =	vst v1;
	v1 =	vmul.f32 v6, v7  }
0x12a: {  	v6 =	vld [tilespmem:s7+$0x10]  }
0x12b: {  	v3 =	vld [tilespmem:s3+$0xFFFFF0C0];
	[tilespmem:s6+$0x20] =	vst v1  }
0x12c: {  	v8 =	vpop (erf);
	(erf) = vrcp.f32 v2;
	v1 =	vld [tilespmem:s5+$0xB0]  }
0x12d: {  	v0 =	vmul.f32 v8, v0;
	(erf) = vrcp.f32 v4;
	v4 =	vld [tilespmem:s11+$0xFFFFF0E0];
	_ =	sdelay $0x1  }
0x12e: {  	v2 =	vpop (erf);
	[tilespmem:s6+$0xFFFFFFA0] =	vst v0;
	(erf) = vrcp.f32 v6  }
0x12f: {  	v0 =	vmul.f32 v2, v3;
	v2 =	vld [tilespmem:s5+$0x30];
	v3 =	vpop (erf)  }
0x130: {  	v8 =	vld [tilespmem:s7+$0xFFFFF010];
	v3 =	vmul.f32 v3, v5;
	(erf) = vrcp.f32 v1;
	v1 =	vpop (erf)  }
0x131: {  	v5 =	vld [tilespmem:s7+$0xFFFFF090];
	[tilespmem:s4+$0x40] =	vst v0;
	v1 =	vmul.f32 v1, v4  }
0x132: {  	v0 =	vld [tilespmem:s3+$0xD0];
	[tilespmem:s4+$0xFFFFFFC0] =	vst v3  }
0x133: {  	v3 =	vld [tilespmem:s3+$0x50]  }
0x134: {  	v7 =	vld [tilespmem:s11+$0xFFFFF060];
	(erf) = vrcp.f32 v2  }
0x135: {  	v10 =	vld [tilespmem:s5+$0xFFFFF0B0];
	[tilespmem:s2+$0x60] =	vst v1;
	v1 =	vpop (erf)  }
0x136: {  	s9 =	simm.s32 $0xA700;
	v4 =	vld [tilespmem:s11+$0xF0];
	v9 =	vpop (erf)  }
0x137: {  	v2 =	vld [tilespmem:s9+$0x80];
	(erf) = vrcp.f32 v0;
	v5 =	vmul.f32 v9, v5;
	v11 =	vpop (erf)  }
0x138: {  	v0 =	vld [tilespmem:s9+$0x0];
	(erf) = vrcp.f32 v3;
	v3 =	vmul.f32 v11, v8  }
0x139: {  	v6 =	vld [tilespmem:s5+$0xFFFFF030];
	[tilespmem:s8+$0x10] =	vst v5  }
0x13a: {  	v8 =	vld [tilespmem:s7+$0xA0];
	[tilespmem:s8+$0xFFFFFF90] =	vst v3  }
0x13b: {  	(erf) = vrcp.f32 v4;
	v4 =	vld [tilespmem:s7+$0x20]  }
0x13c: {  	v11 =	vpop (erf);
	(erf) = vrcp.f32 v2;
	v3 =	vld [tilespmem:s3+$0xFFFFF0D0]  }
0x13d: {  	v5 =	vld [tilespmem:s3+$0xFFFFF050];
	v2 =	vmul.f32 v11, v10;
	(erf) = vrcp.f32 v0;
	v0 =	vpop (erf)  }
0x13e: {  	v9 =	vld [tilespmem:s9+$0xFFFFF000];
	v0 =	vmul.f32 v0, v6  }
0x13f: {  	v61 =	vld [tilespmem:s7+$0xFFFFF0A0];
	[tilespmem:s6+$0x30] =	vst v2;
	(erf) = vrcp.f32 v8  }
0x140: {  	v2 =	vld [tilespmem:s5+$0xC0];
	[tilespmem:s6+$0xFFFFFFB0] =	vst v0;
	v6 =	vpop (erf);
	(erf) = vrcp.f32 v4  }
0x141: {  	v3 =	vmul.f32 v6, v3;
	v4 =	vld [tilespmem:s5+$0x40];
	v6 =	vpop (erf)  }
0x142: {  	v0 =	vld [tilespmem:s9+$0xFFFFF080];
	v5 =	vmul.f32 v6, v5  }
0x143: {  	v1 =	vmul.f32 v1, v7;
	v10 =	vld [tilespmem:s7+$0xFFFFF020];
	[tilespmem:s4+$0x50] =	vst v3  }
0x144: {  	v3 =	vld [tilespmem:s3+$0xE0];
	[tilespmem:s4+$0xFFFFFFD0] =	vst v5  }
0x145: {  	v6 =	vpop (erf);
	(erf) = vrcp.f32 v2;
	v5 =	vld [tilespmem:s3+$0x60]  }
0x146: {  	v8 =	vld [tilespmem:s11+$0xFFFFF0F0];
	v7 =	vpop (erf);
	(erf) = vrcp.f32 v4  }
0x147: {  	[tilespmem:s2+$0xFFFFFFE0] =	vst v1;
	v11 =	vld [tilespmem:s5+$0xFFFFF040];
	v0 =	vmul.f32 v7, v0;
	v1 =	vpop (erf)  }
0x148: {  	s10 =	simm.s32 $0xB800;
	v2 =	vld [tilespmem:s3+$0xFFFFF060];
	v4 =	vpop (erf)  }
0x149: {  	v1 =	vmul.f32 v1, v9;
	[tilespmem:s10+$0x0] =	vst v0;
	v0 =	vld [tilespmem:s11+$0x70];
	(erf) = vrcp.f32 v3;
	v62 =	vpop (erf)  }
0x14a: {  	v7 =	vld [tilespmem:s9+$0x90];
	(erf) = vrcp.f32 v5;
	v5 =	vmul.f32 v62, v10  }
0x14b: {  	[tilespmem:s10+$0xFFFFFF80] =	vst v1;
	v3 =	vld [tilespmem:s5+$0xFFFFF0C0];
	v1 =	vmul.f32 v4, v61  }
0x14c: {  	v9 =	vld [tilespmem:s9+$0x10]  }
0x14d: {  	v6 =	vmul.f32 v6, v8;
	v8 =	vld [tilespmem:s9+$0xFFFFF090];
	[tilespmem:s8+$0x20] =	vst v1  }
0x14e: {  	(erf) = vrcp.f32 v0;
	v1 =	vld [tilespmem:s7+$0xB0];
	[tilespmem:s8+$0xFFFFFFA0] =	vst v5;
	v5 =	vpop (erf)  }
0x14f: {  	v10 =	vld [tilespmem:s3+$0xFFFFF0E0];
	v0 =	vpop (erf);
	(erf) = vrcp.f32 v7  }
0x150: {  	v63 =	vld [tilespmem:s7+$0x30];
	v5 =	vmul.f32 v5, v3  }
0x151: {  	v4 =	vld [tilespmem:s9+$0xFFFFF010];
	(erf) = vrcp.f32 v9  }
0x152: {  	v7 =	vmul.f32 v0, v11;
	v0 =	vld [tilespmem:s11+$0xFFFFF070];
	[tilespmem:s6+$0x40] =	vst v5  }
0x153: {  	(erf) = vrcp.f32 v1;
	v1 =	vpop (erf);
	v5 =	vld [tilespmem:s5+$0xD0]  }
0x154: {  	v3 =	vld [tilespmem:s7+$0xFFFFF030];
	[tilespmem:s6+$0xFFFFFFC0] =	vst v7;
	v9 =	vmul.f32 v1, v10  }
0x155: {  	s12 =	simm.s32 $0xA800;
	[tilespmem:s2+$0x70] =	vst v6;
	s11 =	simm.s32 $0x8;
	(erf) = vrcp.f32 v63;
	v6 =	vpop (erf);
	v7 =	vld [tilespmem:s5+$0x50]  }
.LBB2_7:
0x156: {  	v1 =	vld [tilespmem:s12+$0x80];
	v2 =	vmul.f32 v6, v2;
	[tilespmem:s4+$0x60] =	vst v9  }
0x157: {  	v6 =	vld [tilespmem:s3+$0xF0];
	v9 =	vpop (erf)  }
0x158: {  	v10 =	vpop (erf);
	v11 =	vld [tilespmem:s7+$0xFFFFF0B0];
	(erf) = vrcp.f32 v5;
	[tilespmem:s4+$0xFFFFFFE0] =	vst v2;
	v0 =	vmul.f32 v9, v0  }
0x159: {  	s11 =	sadd.s32 $0x2, s11;
	v2 =	vld [tilespmem:s12+$0x0];
	v5 =	vmul.f32 v10, v8  }
0x15a: {  	p1 =	slt.u32 s11, $0x1E;
	v8 =	vld [tilespmem:s12+$0xFFFFF000];
	v9 =	vpop (erf);
	(erf) = vrcp.f32 v7;
	[tilespmem:s2+$0xFFFFFFF0] =	vst v0;
	s2 =	smov.u32 s4;
	s4 =	smov.u32 s6  }
0x15b: {  	s6 =	smov.u32 s8;
	s8 =	smov.u32 s10;
	v0 =	vmul.f32 v9, v4;
	[tilespmem:s10+$0x10] =	vst v5;
	v4 =	vld [tilespmem:s5+$0xFFFFF050]  }
0x15c: {  	v5 =	vld [tilespmem:s9+$0xA0];
	v7 =	vpop (erf);
	(erf) = vrcp.f32 v6  }
0x15d: {  	(erf) = vrcp.f32 v1;
	[tilespmem:s10+$0xFFFFFF90] =	vst v0;
	v0 =	vmul.f32 v7, v11;
	v1 =	vld [tilespmem:s5+$0xFFFFF0D0]  }
0x15e: {  	(erf) = vrcp.f32 v2;
	v2 =	vld [tilespmem:s9+$0x20];
	v6 =	vpop (erf)  }
0x15f: {  	v7 =	vld [tilespmem:s9+$0xFFFFF020];
	v6 =	vmul.f32 v6, v3;
	[tilespmem:s6+$0x30] =	vst v0  }
0x160: {  	v0 =	vld [tilespmem:s7+$0xC0]  }
0x161: {  	(erf) = vrcp.f32 v5;
	[tilespmem:s6+$0xFFFFFFB0] =	vst v6;
	v3 =	vpop (erf);
	v5 =	vld [tilespmem:s3+$0xFFFFF0F0]  }
0x162: {  	v6 =	vld [tilespmem:s12+$0xFFFFF080];
	v1 =	vmul.f32 v3, v1  }
0x163: {  	(erf) = vrcp.f32 v2;
	v2 =	vld [tilespmem:s7+$0x40];
	v3 =	vpop (erf)  }
0x164: {  	v9 =	vld [tilespmem:s7+$0xFFFFF040];
	v3 =	vmul.f32 v3, v4;
	[tilespmem:s4+$0x50] =	vst v1  }
0x165: {  	v1 =	vld [tilespmem:s5+$0xE0];
	v4 =	vpop (erf)  }
0x166: {  	v10 =	vpop (erf);
	v11 =	vld [tilespmem:s9+$0xFFFFF0A0];
	(erf) = vrcp.f32 v0;
	[tilespmem:s4+$0xFFFFFFD0] =	vst v3;
	v0 =	vmul.f32 v4, v5  }
0x167: {  	v3 =	vmul.f32 v10, v6;
	v4 =	vpop (erf);
	v5 =	vld [tilespmem:s5+$0x60]  }
0x168: {  	s10 =	sadd.s32 $0x100, s10;
	v6 =	vmul.f32 v4, v8;
	(erf) = vrcp.f32 v2;
	v2 =	vld [tilespmem:s5+$0xFFFFF060];
	[tilespmem:s2+$0x70] =	vst v0  }
0x169: {  	[tilespmem:s10+$0x0] =	vst v3;
	v0 =	vld [tilespmem:s3+$0x70]  }
0x16a: {  	[tilespmem:s10+$0xFFFFFF80] =	vst v6;
	v3 =	vld [tilespmem:s12+$0x90];
	v4 =	vpop (erf);
	(erf) = vrcp.f32 v1  }
0x16b: {  	v1 =	vmul.f32 v4, v11;
	v6 =	vld [tilespmem:s7+$0xFFFFF0C0]  }
0x16c: {  	v8 =	vld [tilespmem:s12+$0x10];
	v10 =	vpop (erf);
	(erf) = vrcp.f32 v5  }
0x16d: {  	v4 =	vld [tilespmem:s12+$0xFFFFF010];
	v5 =	vmul.f32 v10, v7;
	[tilespmem:s8+$0x20] =	vst v1  }
0x16e: {  	v1 =	vld [tilespmem:s9+$0xB0];
	(erf) = vrcp.f32 v0  }
0x16f: {  	(erf) = vrcp.f32 v3;
	[tilespmem:s8+$0xFFFFFFA0] =	vst v5;
	v0 =	vpop (erf);
	v7 =	vld [tilespmem:s5+$0xFFFFF0E0]  }
0x170: {  	v10 =	vld [tilespmem:s9+$0x30];
	v0 =	vmul.f32 v0, v6  }
.Ltmp3:
0x171: {  	(erf) = vrcp.f32 v8;
	v3 =	vld [tilespmem:s9+$0xFFFFF030];
	v5 =	vpop (erf);
	(pc) =	sbr.rel @p1 .LBB2_7-.Ltmp3, $4  }
0x172: {  	v11 =	vmul.f32 v5, v9;
	[tilespmem:s6+$0x40] =	vst v0;
	v0 =	vld [tilespmem:s3+$0xFFFFF070];
	s3 =	smov.u32 s5;
	s5 =	smov.u32 s7;
	s7 =	smov.u32 s9  }
0x173: {  	s9 =	smov.u32 s12;
	(erf) = vrcp.f32 v1;
	v5 =	vld [tilespmem:s5+$0xD0];
	v1 =	vpop (erf)  }
0x174: {  	v8 =	vld [tilespmem:s12+$0xFFFFF090];
	[tilespmem:s6+$0xFFFFFFC0] =	vst v11;
	v9 =	vmul.f32 v1, v7  }
0x175: {  	s12 =	sadd.s32 $0x100, s12;
	(erf) = vrcp.f32 v10;
	v7 =	vld [tilespmem:s5+$0x50];
	v6 =	vpop (erf)  }
0x176: {  	_ =	sdelay $0x1  }
0x177: {  	v1 =	vpop (erf)  }
0x178: {  	v10 =	vpop (erf)  }
0x179: {  	v8 =	vmul.f32 v10, v8;
	v10 =	vpop (erf)  }
0x17a: {  	[tilespmem:s4+$0x60] =	vst v9;
	v4 =	vmul.f32 v10, v4  }
0x17b: {  	v9 =	vld [tilespmem:s3+$0xF0];
	[tilespmem:s10+$0x10] =	vst v8  }
0x17c: {  	v8 =	vld [tilespmem:s9+$0xA0];
	[tilespmem:s10+$0xFFFFFF90] =	vst v4  }
0x17d: {  	(erf) = vrcp.f32 v5;
	v4 =	vld [tilespmem:s9+$0x20]  }
0x17e: {  	v5 =	vld [tilespmem:s7+$0xFFFFF0B0];
	(erf) = vrcp.f32 v7;
	_ =	sdelay $0x1  }
0x17f: {  	(erf) = vrcp.f32 v9  }
0x180: {  	(erf) = vrcp.f32 v8  }
0x181: {  	v8 =	vpop (erf);
	(erf) = vrcp.f32 v4;
	v4 =	vld [tilespmem:s5+$0xFFFFF0D0]  }
0x182: {  	v7 =	vld [tilespmem:s5+$0xFFFFF050];
	v5 =	vmul.f32 v8, v5;
	_ =	sdelay $0x1  }
0x183: {  	v8 =	vpop (erf)  }
0x184: {  	v3 =	vmul.f32 v8, v3;
	v8 =	vpop (erf)  }
0x185: {  	v9 =	vld [tilespmem:s9+$0xFFFFF0A0];
	[tilespmem:s8+$0x30] =	vst v5;
	v5 =	vpop (erf);
	v4 =	vmul.f32 v8, v4  }
0x186: {  	v10 =	vld [tilespmem:s9+$0xFFFFF020];
	v5 =	vmul.f32 v5, v7;
	_ =	sdelay $0x1  }
0x187: {  	[tilespmem:s8+$0xFFFFFFB0] =	vst v3;
	v3 =	vpop (erf);
	v8 =	vld [tilespmem:s7+$0xC0]  }
0x188: {  	v2 =	vmul.f32 v6, v2;
	v6 =	vld [tilespmem:s7+$0x40];
	[tilespmem:s6+$0x50] =	vst v4;
	v4 =	vpop (erf)  }
0x189: {  	[tilespmem:s6+$0xFFFFFFD0] =	vst v5;
	v7 =	vld [tilespmem:s5+$0xE0];
	v4 =	vmul.f32 v4, v9;
	v5 =	vpop (erf)  }
0x18a: {  	[tilespmem:s4+$0xFFFFFFE0] =	vst v2;
	v2 =	vld [tilespmem:s5+$0x60];
	v5 =	vmul.f32 v5, v10  }
0x18b: {  	v9 =	vld [tilespmem:s3+$0x70];
	[tilespmem:s10+$0x20] =	vst v4  }
0x18c: {  	(erf) = vrcp.f32 v8;
	v4 =	vld [tilespmem:s9+$0xB0];
	[tilespmem:s10+$0xFFFFFFA0] =	vst v5  }
0x18d: {  	(erf) = vrcp.f32 v6;
	v5 =	vld [tilespmem:s9+$0x30]  }
0x18e: {  	(erf) = vrcp.f32 v7  }
0x18f: {  	(erf) = vrcp.f32 v2  }
0x190: {  	(erf) = vrcp.f32 v9  }
0x191: {  	(erf) = vrcp.f32 v4  }
0x192: {  	v2 =	vld [tilespmem:s7+$0xFFFFF0C0];
	(erf) = vrcp.f32 v5  }
0x193: {  	v4 =	vld [tilespmem:s7+$0xFFFFF040];
	_ =	sdelay $0x1  }
0x194: {  	v6 =	vld [tilespmem:s5+$0xFFFFF0E0];
	v5 =	vpop (erf)  }
0x195: {  	v8 =	vld [tilespmem:s9+$0xFFFFF0B0];
	v7 =	vpop (erf)  }
0x196: {  	v9 =	vld [tilespmem:s9+$0xFFFFF030];
	v2 =	vmul.f32 v5, v2;
	v10 =	vpop (erf)  }
0x197: {  	v5 =	vpop (erf);
	v4 =	vmul.f32 v7, v4  }
0x198: {  	[tilespmem:s8+$0x40] =	vst v2;
	v7 =	vpop (erf)  }
0x199: {  	v2 =	vmul.f32 v10, v6;
	v10 =	vld [tilespmem:s7+$0xD0];
	[tilespmem:s8+$0xFFFFFFC0] =	vst v4;
	v6 =	vpop (erf)  }
0x19a: {  	v4 =	vmul.f32 v6, v8;
	v6 =	vpop (erf);
	v8 =	vld [tilespmem:s7+$0x50]  }
0x19b: {  	[tilespmem:s6+$0x60] =	vst v2;
	v2 =	vmul.f32 v6, v9  }
0x19c: {  	v6 =	vld [tilespmem:s5+$0xF0];
	[tilespmem:s10+$0x30] =	vst v4  }
0x19d: {  	v4 =	vld [tilespmem:s9+$0xC0];
	[tilespmem:s10+$0xFFFFFFB0] =	vst v2  }
0x19e: {  	(erf) = vrcp.f32 v10;
	v2 =	vld [tilespmem:s9+$0x40]  }
0x19f: {  	(erf) = vrcp.f32 v8;
	_ =	sdelay $0x1  }
0x1a0: {  	(erf) = vrcp.f32 v6  }
0x1a1: {  	(erf) = vrcp.f32 v4  }
0x1a2: {  	(erf) = vrcp.f32 v2;
	v2 =	vld [tilespmem:s7+$0xFFFFF0D0]  }
0x1a3: {  	v4 =	vld [tilespmem:s7+$0xFFFFF050];
	_ =	sdelay $0x2  }
0x1a4: {  	v6 =	vld [tilespmem:s5+$0xFFFFF060];
	v9 =	vpop (erf)  }
0x1a5: {  	v8 =	vld [tilespmem:s9+$0xFFFFF0C0];
	v2 =	vmul.f32 v9, v2;
	v9 =	vpop (erf)  }
0x1a6: {  	v10 =	vld [tilespmem:s9+$0xFFFFF040];
	v4 =	vmul.f32 v9, v4;
	_ =	sdelay $0x1  }
0x1a7: {  	v9 =	vpop (erf)  }
0x1a8: {  	v5 =	vmul.f32 v5, v6;
	[tilespmem:s8+$0x50] =	vst v2;
	v2 =	vpop (erf)  }
0x1a9: {  	v6 =	vld [tilespmem:s7+$0xE0];
	[tilespmem:s8+$0xFFFFFFD0] =	vst v4;
	v2 =	vmul.f32 v2, v8;
	v4 =	vpop (erf)  }
0x1aa: {  	[tilespmem:s6+$0xFFFFFFE0] =	vst v5;
	v5 =	vld [tilespmem:s7+$0x60];
	v4 =	vmul.f32 v4, v10  }
0x1ab: {  	v8 =	vld [tilespmem:s5+$0x70];
	[tilespmem:s10+$0x40] =	vst v2  }
0x1ac: {  	v2 =	vld [tilespmem:s9+$0xD0];
	[tilespmem:s10+$0xFFFFFFC0] =	vst v4  }
0x1ad: {  	v4 =	vld [tilespmem:s9+$0x50]  }
0x1ae: {  	(erf) = vrcp.f32 v6  }
0x1af: {  	(erf) = vrcp.f32 v5  }
0x1b0: {  	(erf) = vrcp.f32 v8  }
0x1b1: {  	(erf) = vrcp.f32 v2  }
0x1b2: {  	(erf) = vrcp.f32 v4;
	_ =	sdelay $0x2  }
0x1b3: {  	v2 =	vld [tilespmem:s7+$0xFFFFF0E0]  }
0x1b4: {  	v4 =	vld [tilespmem:s9+$0xFFFFF0D0]  }
0x1b5: {  	v6 =	vld [tilespmem:s9+$0xFFFFF050];
	v5 =	vpop (erf)  }
0x1b6: {  	v8 =	vpop (erf)  }
0x1b7: {  	v10 =	vpop (erf)  }
0x1b8: {  	v2 =	vmul.f32 v5, v2;
	v5 =	vpop (erf)  }
0x1b9: {  	v4 =	vmul.f32 v5, v4;
	v5 =	vpop (erf)  }
0x1ba: {  	[tilespmem:s8+$0x60] =	vst v2;
	v2 =	vmul.f32 v5, v6  }
0x1bb: {  	v5 =	vld [tilespmem:s7+$0xF0];
	[tilespmem:s10+$0x50] =	vst v4  }
0x1bc: {  	v4 =	vld [tilespmem:s9+$0xE0];
	[tilespmem:s10+$0xFFFFFFD0] =	vst v2  }
0x1bd: {  	v2 =	vld [tilespmem:s9+$0x60];
	_ =	sdelay $0x2  }
0x1be: {  	(erf) = vrcp.f32 v5  }
0x1bf: {  	(erf) = vrcp.f32 v4  }
0x1c0: {  	(erf) = vrcp.f32 v2;
	_ =	sdelay $0x2  }
0x1c1: {  	v2 =	vld [tilespmem:s7+$0xFFFFF060]  }
0x1c2: {  	v4 =	vld [tilespmem:s9+$0xFFFFF0E0]  }
0x1c3: {  	v5 =	vld [tilespmem:s9+$0xFFFFF060];
	_ =	sdelay $0x1  }
0x1c4: {  	v6 =	vpop (erf)  }
0x1c5: {  	v2 =	vmul.f32 v8, v2;
	v8 =	vpop (erf)  }
0x1c6: {  	v4 =	vmul.f32 v8, v4;
	v8 =	vpop (erf)  }
0x1c7: {  	[tilespmem:s8+$0xFFFFFFE0] =	vst v2;
	v2 =	vmul.f32 v8, v5  }
0x1c8: {  	v5 =	vld [tilespmem:s7+$0x70];
	[tilespmem:s10+$0x60] =	vst v4  }
0x1c9: {  	v4 =	vld [tilespmem:s9+$0xF0];
	[tilespmem:s10+$0xFFFFFFE0] =	vst v2  }
0x1ca: {  	v2 =	vld [tilespmem:s9+$0x70];
	_ =	sdelay $0x1  }
0x1cb: {  	v0 =	vmul.f32 v1, v0;
	v1 =	vld [tilespmem:s7+$0xFFFFF0F0]  }
0x1cc: {  	v8 =	vld [tilespmem:s3+$0xFFFFF0F0];
	(erf) = vrcp.f32 v5  }
0x1cd: {  	v5 =	vld [tilespmem:s3+$0xFFFFF070];
	(erf) = vrcp.f32 v4  }
0x1ce: {  	v4 =	vld [tilespmem:s5+$0xFFFFF0F0];
	(erf) = vrcp.f32 v2  }
0x1cf: {  	v2 =	vld [tilespmem:s5+$0xFFFFF070];
	_ =	sdelay $0x1  }
0x1d0: {  	v3 =	vmul.f32 v3, v8;
	v8 =	vld [tilespmem:s7+$0xFFFFF070]  }
0x1d1: {  	[tilespmem:s2+$0xFFFFFFF0] =	vst v0;
	v0 =	vmul.f32 v7, v5;
	v5 =	vld [tilespmem:s9+$0xFFFFF0F0]  }
0x1d2: {  	v1 =	vmul.f32 v6, v1;
	[tilespmem:s4+$0x70] =	vst v3;
	v3 =	vmul.f32 v9, v4;
	v4 =	vld [tilespmem:s9+$0xFFFFF070]  }
0x1d3: {  	[tilespmem:s4+$0xFFFFFFF0] =	vst v0;
	v0 =	vmul.f32 v10, v2  }
0x1d4: {  	[tilespmem:s8+$0x70] =	vst v1;
	v2 =	vpop (erf)  }
0x1d5: {  	[tilespmem:s6+$0xFFFFFFF0] =	vst v0;
	v0 =	vmul.f32 v2, v8;
	v2 =	vpop (erf)  }
0x1d6: {  	[tilespmem:s6+$0x70] =	vst v3;
	v1 =	vmul.f32 v2, v5;
	v2 =	vpop (erf)  }
0x1d7: {  	[tilespmem:s8+$0xFFFFFFF0] =	vst v0;
	v0 =	vmul.f32 v2, v4  }
0x1d8: {  	[tilespmem:s10+$0x70] =	vst v1  }
0x1d9: {  	s31 =	simm.s32 $0x38;
	[tilespmem:s10+$0xFFFFFFF0] =	vst v0  }
0x1da: {  	v0 =	vld [tilespmem:s31+$0x20]  }
0x1db: {  	v1 =	vld [tilespmem:s31+$0xFFFFFFE0]  }
0x1dc: {  	v2 =	vld [tilespmem:s31+$0xFFFFFFF0]  }
0x1dd: {  	v3 =	vld [tilespmem:s31+$0xFFFFFFD0]  }
0x1de: {  	v4 =	vld [tilespmem:s31+$0x0]  }
0x1df: {  	s3 =	simm.s32 $0x18B0;
	v5 =	vld [tilespmem:s31+$0x10]  }
0x1e0: {  	s4 =	simm.s32 $0x6230;
	v7 =	vld [tilespmem:s3+$0x20]  }
0x1e1: {  	v9 =	vld [tilespmem:s4+$0x20]  }
0x1e2: {  	v12 =	vld [tilespmem:s3+$0xFFFFFFE0]  }
0x1e3: {  	s2 =	simm.s32 $0xB380;
	v13 =	vld [tilespmem:s3+$0xFFFFFFF0]  }
0x1e4: {  	v6 =	vld.idx.msk [tilespmem:v0+s2+$0x0], $0xffff  }
0x1e5: {  	v8 =	vld.idx.msk [tilespmem:v1+s2+$0x0], $0xffff  }
0x1e6: {  	v10 =	vld.idx.msk [tilespmem:v2+s2+$0x0], $0xffff  }
0x1e7: {  	v11 =	vld.idx.msk [tilespmem:v3+s2+$0x0], $0xffff  }
0x1e8: {  	v0 =	vld.idx.msk [tilespmem:v5+s2+$0x0], $0xffff  }
0x1e9: {  	v5 =	vld [tilespmem:s3+$0xFFFFFFD0]  }
0x1ea: {  	v1 =	vld.idx.msk [tilespmem:v4+s2+$0x0], $0xffff  }
0x1eb: {  	v3 =	vld [tilespmem:s3+$0x0];
	v4 =	vsub.f32 v6, v7  }
0x1ec: {  	v2 =	vld [tilespmem:s3+$0x10]  }
0x1ed: {  	v6 =	vmul.f32 v4, v9;
	v4 =	vld [tilespmem:s4+$0xFFFFFFD0]  }
0x1ee: {  	s5 =	simm.s32 $0x7AB0;
	v7 =	vsub.f32 v11, v5;
	v5 =	vld [tilespmem:s4+$0xFFFFFFE0]  }
0x1ef: {  	s7 =	simm.s32 $0x98;
	s6 =	simm.s32 $0x0;
	v9 =	vsub.f32 v8, v12;
	v8 =	vsub.f32 v10, v13;
	[tilespmem:s5+$0x20] =	vst v6;
	v6 =	vld [tilespmem:s4+$0xFFFFFFF0]  }
.LBB2_9:
0x1f0: {  	v10 =	vld [tilespmem:s7+$0x20];
	s6 =	sadd.s32 $0x60, s6;
	v1 =	vsub.f32 v1, v3  }
0x1f1: {  	v3 =	vld [tilespmem:s7+$0xFFFFFFE0];
	p1 =	slt.u32 s6, $0x1800;
	v0 =	vsub.f32 v0, v2  }
0x1f2: {  	v2 =	vld [tilespmem:s7+$0xFFFFFFF0];
	v4 =	vmul.f32 v7, v4  }
0x1f3: {  	v7 =	vld [tilespmem:s7+$0x0];
	v5 =	vmul.f32 v9, v5  }
0x1f4: {  	v9 =	vld [tilespmem:s7+$0x10];
	[tilespmem:s5+$0xFFFFFFD0] =	vst v4;
	v4 =	vmul.f32 v8, v6  }
0x1f5: {  	v6 =	vld [tilespmem:s7+$0xFFFFFFD0];
	[tilespmem:s5+$0xFFFFFFE0] =	vst v5  }
0x1f6: {  	[tilespmem:s5+$0xFFFFFFF0] =	vst v4;
	v4 =	vld [tilespmem:s4+$0x0]  }
0x1f7: {  	v5 =	vld [tilespmem:s4+$0x10]  }
0x1f8: {  	s3 =	sadd.s32 $0x60, s3;
	v8 =	vld.idx.msk [tilespmem:v10+s2+$0x0], $0xffff  }
0x1f9: {  	v10 =	vld [tilespmem:s3+$0x20]  }
0x1fa: {  	s4 =	sadd.s32 $0x60, s4;
	v11 =	vld.idx.msk [tilespmem:v3+s2+$0x0], $0xffff  }
0x1fb: {  	v3 =	vld [tilespmem:s4+$0x20];
	v1 =	vmul.f32 v1, v4  }
0x1fc: {  	v12 =	vld.idx.msk [tilespmem:v2+s2+$0x0], $0xffff;
	v0 =	vmul.f32 v0, v5  }
0x1fd: {  	v5 =	vld.idx.msk [tilespmem:v6+s2+$0x0], $0xffff;
	[tilespmem:s5+$0x0] =	vst v1  }
0x1fe: {  	v1 =	vld.idx.msk [tilespmem:v7+s2+$0x0], $0xffff;
	v2 =	vsub.f32 v8, v10;
	[tilespmem:s5+$0x10] =	vst v0  }
0x1ff: {  	v0 =	vld.idx.msk [tilespmem:v9+s2+$0x0], $0xffff  }
0x200: {  	v6 =	vld [tilespmem:s3+$0xFFFFFFD0];
	v2 =	vmul.f32 v2, v3  }
0x201: {  	s5 =	sadd.s32 $0x60, s5;
	v8 =	vld [tilespmem:s3+$0xFFFFFFE0]  }
0x202: {  	v10 =	vld [tilespmem:s3+$0xFFFFFFF0];
	[tilespmem:s5+$0x20] =	vst v2  }
.Ltmp4:
0x203: {  	v3 =	vld [tilespmem:s3+$0x0];
	(pc) =	sbr.rel @p1 .LBB2_9-.Ltmp4, $4  }
0x204: {  	v2 =	vld [tilespmem:s3+$0x10]  }
0x205: {  	v4 =	vld [tilespmem:s4+$0xFFFFFFD0];
	v7 =	vsub.f32 v5, v6  }
0x206: {  	v5 =	vld [tilespmem:s4+$0xFFFFFFE0];
	v9 =	vsub.f32 v11, v8  }
0x207: {  	s7 =	sadd.s32 $0x60, s7;
	v6 =	vld [tilespmem:s4+$0xFFFFFFF0];
	v8 =	vsub.f32 v12, v10  }
0x208: {  	v10 =	vld [tilespmem:s4+$0x0]  }
0x209: {  	v11 =	vld [tilespmem:s4+$0x10]  }
0x20a: {  	v4 =	vmul.f32 v7, v4  }
0x20b: {  	v1 =	vsub.f32 v1, v3;
	v62 =	vmul.f32 v9, v5  }
0x20c: {  	v0 =	vsub.f32 v0, v2;
	[tilespmem:s5+$0xFFFFFFD0] =	vst v4;
	v63 =	vmul.f32 v8, v6  }
0x20d: {  	[tilespmem:s5+$0xFFFFFFE0] =	vst v62;
	v1 =	vmul.f32 v1, v10  }
0x20e: {  	v0 =	vmul.f32 v0, v11;
	[tilespmem:s5+$0xFFFFFFF0] =	vst v63  }
0x20f: {  	[tilespmem:s5+$0x0] =	vst v1  }
0x210: {  	[tilespmem:s5+$0x10] =	vst v0  }
0x211: {  	v0 =	vld [tilespmem:$0x1868];
	_ =	sdelay $0x6  }
0x212: {  	s2 =	simm.s32 $0xB380;
	v1 =	vld [tilespmem:$0x30E0]  }
0x213: {  	v0 =	vld.idx.msk [tilespmem:v0+s2+$0x0], $0xffff;
	_ =	sdelay $0x1  }
0x214: {  	v2 =	vld [tilespmem:$0x7A60];
	_ =	sdelay $0x2  }
0x215: {  	v0 =	vsub.f32 v0, v1;
	_ =	sdelay $0x1  }
0x216: {  	v0 =	vmul.f32 v0, v2;
	_ =	sdelay $0x1  }
0x217: {  	s30 =	simm.s32 $0x0;
	s3 =	simm.s32 $0x7A80;
	s31 =	simm.s32 $0x2;
	[tilespmem:$0x92E0] =	vst v0  }
0x218: {  	[hbm4b:s1+s30] =	stream.linear.scatter [tilespmem:s3], [sflag:$0x2], $0x1870, $0x38;
	[tilespmem:$0xC580] =	vst v63  }
0x219: {  	_ =	swait.ge [sflag:s31], $0x1870  }
0x21a: {  	[sflag:s31] =	ssyncset.done $0x0  }
0x21b: {  	[sflag:s31] =	ssyncadd.s32 $0xFFFFE790  }
0x21c: {  	_ =	sfence.sel $0x180000  }
0x21d: {  	[bflag:$0x0] =	sbarrier.arrive $0xFFFF  }
0x21e: {  	_ =	strace $0x90000047  }
0x21f: {  	s0 =	sadd.s32 @!p0 $0x100000, s0;
	[bflag:$0x2] =	sbarrier.arrive $0xFFFF  }
0x220: {  	[sflag:s0] =	ssyncadd.tile.s32 @!p0 $0x1;
	_ =	shalt  }
.Lfunc_end2:
_tile_overlayer_lowered:
.L_overlay_start_2:
0x221: {  	(tag) =	ssettag $0x2  }
0x222: {  	s0 =	rddreg [dreg:$0x0];
	s2 =	stileid.u32  }
0x223: {  	s1 =	rddreg [dreg:$0x1];
	p0 =	sne.s32 s2, $0x0  }
0x224: {  	s3 =	rddreg [dreg:$0x2];
	[bflag:$0x3] =	sbarrier.arrive $0xFFFF;
	s2 =	simm.s32 @!p0 $0x1C02  }
0x225: {  	[timem:s3], [sflag:s2] =	dma.local @!p0 [hbm:s0], s1  }
0x226: {  	s0 =	simm.s32 @!p0 $0x2  }
0x227: {  	_ =	swait.ge @!p0 [sflag:s0], s1  }
0x228: {  	s1 =	ssub.s32 @!p0 $0x0, s1;
	[sflag:s0] =	ssyncset.done @!p0 $0x0  }
0x229: {  	[sflag:s0] =	ssyncadd.s32 @!p0 s1  }
0x22a: {  	[bflag:$0x3] =	sbarrier.arrive $0xFFFF  }
0x22b: {  	_ =	shalt  }

</sc_bundles>
